<compile_context>
chip_gen: v7x
topology: tpu7x:2x2x1
jax: 0.10.2.dev20260603
libtpu: 0.0.44.dev20260713+nightly
codegen_flags: <defaults>
</compile_context>

<pallas_src>
import functools

import numpy as np
import jax
import jax.numpy as jnp
from jax import lax
from jax.experimental import pallas as pl
from jax.experimental.pallas import tpu as pltpu
from jax.experimental.pallas import tpu_sc as plsc

SRC_DIMS = [32, 32, 32, 32]
SIZE = sum(SRC_DIMS)
SEQ = 50
BATCH = 4096
N = BATCH * SEQ

_info = plsc.get_sparse_core_info()
NC, NS, L = _info.num_cores, _info.num_subcores, _info.num_lanes
NW = NC * NS
PER_W = N // NW
ROWS_PER_CHUNK = 4
CHUNK = ROWS_PER_CHUNK * SEQ
N_CHUNKS = PER_W // CHUNK
NVEC = SIZE // L
G1 = 128
G2 = CHUNK - G1


def _positional_encoding_np(embedding_size, sequence_length):
    pe = np.zeros((sequence_length, embedding_size), dtype=np.float32)
    position = np.arange(sequence_length, dtype=np.float32)[:, None]
    div_term = np.exp(
        np.arange(0, embedding_size, 2, dtype=np.float32)
        * (-np.log(10000.0) / embedding_size))
    pe[:, 0::2] = np.sin(position * div_term)
    pe[:, 1::2] = np.cos(position * div_term)
    return pe


_PE = _positional_encoding_np(SIZE, SEQ)

_mesh = plsc.VectorSubcoreMesh(core_axis_name="c", subcore_axis_name="s")


@functools.partial(
    pl.kernel,
    out_type=jax.ShapeDtypeStruct((N, SIZE), jnp.float32),
    mesh=_mesh,
    scratch_types=[
        pltpu.VMEM((CHUNK + L,), jnp.float32),
        pltpu.VMEM((CHUNK + L,), jnp.float32),
        pltpu.VMEM((CHUNK + L,), jnp.float32),
        pltpu.VMEM((CHUNK,), jnp.int32),
        pltpu.VMEM((CHUNK, 32), jnp.float32),
        pltpu.VMEM((CHUNK, SIZE), jnp.float32),
        pltpu.VMEM((SEQ, SIZE), jnp.float32),
        pltpu.VMEM((SIZE,), jnp.float32),
        pltpu.SemaphoreType.DMA,
    ],
    compiler_params=pltpu.CompilerParams(use_tc_tiling_on_sc=False),
)
def _sc_embed(x0_hbm, x1_hbm, x2_hbm, idx_hbm, emb_hbm, add_hbm, w_hbm,
              out_hbm, x0_v, x1_v, x2_v, idx_v, rows_v, out_v, add_v, w_v,
              sem):
    wid = lax.axis_index("s") * NC + lax.axis_index("c")
    pltpu.sync_copy(add_hbm, add_v)
    pltpu.sync_copy(w_hbm, w_v)
    w_regs = [w_v[pl.ds(L * j, L)] for j in range(6)]
    x_hbms = [x0_hbm, x1_hbm, x2_hbm]
    x_vs = [x0_v, x1_v, x2_v]

    def chunk_body(k, _):
        base = wid * PER_W + k * CHUNK
        for i in range(3):
            pltpu.sync_copy(x_hbms[i].at[pl.ds(base, CHUNK)],
                            x_vs[i].at[pl.ds(0, CHUNK)])
        pltpu.sync_copy(idx_hbm.at[pl.ds(base, CHUNK)], idx_v)
        cp1 = pltpu.async_copy(emb_hbm.at[idx_v.at[pl.ds(0, G1)]],
                               rows_v.at[pl.ds(0, G1)], sem)
        cp2 = pltpu.async_copy(emb_hbm.at[idx_v.at[pl.ds(G1, G2)]],
                               rows_v.at[pl.ds(G1, G2)], sem)
        cp1.wait()
        cp2.wait()

        def s_body(s, _):
            adds = [add_v[s, pl.ds(L * j, L)] for j in range(NVEC)]
            for r in range(ROWS_PER_CHUNK):
                q = r * SEQ + s
                xs = [x_vs[i][pl.ds(q, L)][0] for i in range(3)]
                for j in range(NVEC):
                    if j < 6:
                        val = xs[j // 2] * w_regs[j] + adds[j]
                    else:
                        val = rows_v[q, pl.ds(L * (j - 6), L)] + adds[j]
                    out_v[q, pl.ds(L * j, L)] = val
            return 0

        lax.fori_loop(0, SEQ, s_body, 0)
        pltpu.sync_copy(out_v, out_hbm.at[pl.ds(base, CHUNK)])
        return 0

    lax.fori_loop(0, N_CHUNKS, chunk_body, 0)


def kernel(input_tensor, W0, b0, W1, b1, W2, b2, emb_table):
    B, S, _ = input_tensor.shape
    xcols = [input_tensor[:, :, i].reshape(N) for i in range(3)]
    idx32 = input_tensor[:, :, 3].astype(jnp.int32).reshape(N)
    bias = jnp.concatenate([b0, b1, b2, jnp.zeros((32,), jnp.float32)])
    add_tab = bias[None, :] + jnp.asarray(_PE)
    wvec = jnp.concatenate(
        [W0[0], W1[0], W2[0], jnp.ones((32,), jnp.float32)])
    out = _sc_embed(xcols[0], xcols[1], xcols[2], idx32, emb_table,
                    add_tab, wvec)
    return out.reshape(B, S, SIZE)

# --- scband reference (transcript-rebuilt; emitter-appended) ---
"""Pipeline reference for scband-saestarembedding-55319178772875 (READ-ONLY COPY).

The authoritative reference and input builder live on the scoring server;
editing this copy changes nothing except your own understanding.
"""

import jax, jax.numpy as jnp
import numpy as np

SRC_DIMS = [32, 32, 32, 32]
NUM_TYPES = 1000000
SEQ = 50
BATCH = 4096
SIZE = sum(SRC_DIMS)


def _positional_encoding(embedding_size, sequence_length):
    pe = np.zeros((sequence_length, embedding_size), dtype=np.float32)
    position = np.arange(sequence_length, dtype=np.float32)[:, None]
    div_term = np.exp(np.arange(0, embedding_size, 2, dtype=np.float32) * (-np.log(10000.0) / embedding_size))
    pe[:, 0::2] = np.sin(position * div_term)
    pe[:, 1::2] = np.cos(position * div_term)
    return jnp.asarray(pe)[None, :, :]


def setup_inputs(seed: int = 0) -> dict:
    key = jax.random.key(seed)
    ks = jax.random.split(key, 10)
    x_num = jax.random.normal(ks[0], (BATCH, SEQ, 3), dtype=jnp.float32)
    idx = jax.random.randint(ks[1], (BATCH, SEQ, 1), 0, NUM_TYPES).astype(jnp.float32)
    input_tensor = jnp.concatenate([x_num, idx], axis=-1)
    inp = {"input_tensor": input_tensor}
    for i in range(3):
        d = SRC_DIMS[i]
        inp[f"W{i}"] = jax.random.normal(ks[2 + i], (1, d), dtype=jnp.float32)
        inp[f"b{i}"] = jax.random.normal(ks[5 + i], (d,), dtype=jnp.float32) * 0.01
    inp["emb_table"] = jax.random.normal(ks[8], (NUM_TYPES, SRC_DIMS[3]), dtype=jnp.float32) * 0.02
    return inp


def reference(input_tensor, W0, b0, W1, b1, W2, b2, emb_table):
    # is_src=True path of SAESTAREmbedding.forward
    B, S, _ = input_tensor.shape
    Ws = [W0, W1, W2]
    bs = [b0, b1, b2]
    outs = []
    for i in range(3):
        # nn.Linear(1, d): x[:, :, i].view(-1, 1) @ W^T + b, reshaped back
        outs.append(input_tensor[:, :, i:i + 1] * Ws[i][0] + bs[i])
    idx = input_tensor[:, :, 3].astype(jnp.int32)
    outs.append(jnp.take(emb_table, idx, axis=0))
    embedded = jnp.concatenate(outs, axis=-1)
    pe = _positional_encoding(SIZE, S)
    embedded = embedded + pe
    return embedded.reshape(B, S, -1)

if __name__ == "__main__":
    import jax
    _d = setup_inputs()
    print(jax.jit(kernel)(*tuple(_d.values())))

</pallas_src>

<mosaic_0001>
#map = affine_map<(d0, d1) -> (0)>
#map1 = affine_map<(d0, d1) -> (0, 0)>
module attributes {stable_mosaic.version = 14 : i64} {
  func.func @_sc_embed(%arg0: i32, %arg1: i32, %arg2: memref<204800xf32, #tpu.memory_space<hbm>>, %arg3: memref<204800xf32, #tpu.memory_space<hbm>>, %arg4: memref<204800xf32, #tpu.memory_space<hbm>>, %arg5: memref<204800xi32, #tpu.memory_space<hbm>>, %arg6: memref<1000000x32xf32, #tpu.memory_space<hbm>>, %arg7: memref<50x128xf32, #tpu.memory_space<hbm>>, %arg8: memref<128xf32, #tpu.memory_space<hbm>>, %arg9: memref<204800x128xf32, #tpu.memory_space<hbm>>, %arg10: memref<216xf32, #tpu.memory_space<vmem>>, %arg11: memref<216xf32, #tpu.memory_space<vmem>>, %arg12: memref<216xf32, #tpu.memory_space<vmem>>, %arg13: memref<200xi32, #tpu.memory_space<vmem>>, %arg14: memref<200x32xf32, #tpu.memory_space<vmem>>, %arg15: memref<200x128xf32, #tpu.memory_space<vmem>>, %arg16: memref<50x128xf32, #tpu.memory_space<vmem>>, %arg17: memref<128xf32, #tpu.memory_space<vmem>>, %arg18: memref<!tpu.dma_semaphore, #tpu.memory_space<semaphore_mem>>) attributes {dimension_semantics = [#tpu.dimension_semantics<core_parallel>, #tpu.dimension_semantics<subcore_parallel>], iteration_bounds = array<i64: 2, 16>, scalar_prefetch = 0 : i64, scratch_operands = 9 : i64, tpu.core_type = #tpu.core_type<sc_vector_subcore>, window_params = [{transform_indices = #map}, {transform_indices = #map}, {transform_indices = #map}, {transform_indices = #map}, {transform_indices = #map1}, {transform_indices = #map1}, {transform_indices = #map}, {transform_indices = #map1}]} {
    %mul3A = arith.constant 2 : i32
    %mul3A_0 = arith.muli %arg1, %mul3A : i32
    %add3A = arith.addi %mul3A_0, %arg0 : i32
    "tpu.region"() ({
      %run_scoped3A = tpu.sem_alloc : memref<!tpu.dma_semaphore, #tpu.memory_space<semaphore_mem>>
      tpu.enqueue_dma source(%arg7 : memref<50x128xf32, #tpu.memory_space<hbm>>) target(%arg16 : memref<50x128xf32, #tpu.memory_space<vmem>>) target_semaphore(%run_scoped3A : memref<!tpu.dma_semaphore, #tpu.memory_space<semaphore_mem>>)
      tpu.wait_dma2 semaphore(%run_scoped3A : memref<!tpu.dma_semaphore, #tpu.memory_space<semaphore_mem>>) src(%arg7 : memref<50x128xf32, #tpu.memory_space<hbm>>) dst(%arg16 : memref<50x128xf32, #tpu.memory_space<vmem>>)
      tpu.yield
    }) : () -> ()
    "tpu.region"() ({
      %run_scoped3A = tpu.sem_alloc : memref<!tpu.dma_semaphore, #tpu.memory_space<semaphore_mem>>
      tpu.enqueue_dma source(%arg8 : memref<128xf32, #tpu.memory_space<hbm>>) target(%arg17 : memref<128xf32, #tpu.memory_space<vmem>>) target_semaphore(%run_scoped3A : memref<!tpu.dma_semaphore, #tpu.memory_space<semaphore_mem>>)
      tpu.wait_dma2 semaphore(%run_scoped3A : memref<!tpu.dma_semaphore, #tpu.memory_space<semaphore_mem>>) src(%arg8 : memref<128xf32, #tpu.memory_space<hbm>>) dst(%arg17 : memref<128xf32, #tpu.memory_space<vmem>>)
      tpu.yield
    }) : () -> ()
    %get3A = arith.constant 0 : index
    %get3A_1 = tpu.vector_load %arg17[%get3A] {strides = array<i32>} : memref<128xf32, #tpu.memory_space<vmem>>, vector<16xf32>,
    %get3A_2 = vector.shape_cast %get3A_1 : vector<16xf32> to vector<16xf32>
    %get3A_3 = arith.constant 16 : index
    %get3A_4 = tpu.vector_load %arg17[%get3A_3] {strides = array<i32>} : memref<128xf32, #tpu.memory_space<vmem>>, vector<16xf32>,
    %get3A_5 = vector.shape_cast %get3A_4 : vector<16xf32> to vector<16xf32>
    %get3A_6 = arith.constant 32 : index
    %get3A_7 = tpu.vector_load %arg17[%get3A_6] {strides = array<i32>} : memref<128xf32, #tpu.memory_space<vmem>>, vector<16xf32>,
    %get3A_8 = vector.shape_cast %get3A_7 : vector<16xf32> to vector<16xf32>
    %get3A_9 = arith.constant 48 : index
    %get3A_10 = tpu.vector_load %arg17[%get3A_9] {strides = array<i32>} : memref<128xf32, #tpu.memory_space<vmem>>, vector<16xf32>,
    %get3A_11 = vector.shape_cast %get3A_10 : vector<16xf32> to vector<16xf32>
    %get3A_12 = arith.constant 64 : index
    %get3A_13 = tpu.vector_load %arg17[%get3A_12] {strides = array<i32>} : memref<128xf32, #tpu.memory_space<vmem>>, vector<16xf32>,
    %get3A_14 = vector.shape_cast %get3A_13 : vector<16xf32> to vector<16xf32>
    %get3A_15 = arith.constant 80 : index
    %get3A_16 = tpu.vector_load %arg17[%get3A_15] {strides = array<i32>} : memref<128xf32, #tpu.memory_space<vmem>>, vector<16xf32>,
    %get3A_17 = vector.shape_cast %get3A_16 : vector<16xf32> to vector<16xf32>
    %scan3A = arith.constant 0 : i32
    %scan3A_18 = arith.constant 0 : i32
    %scan3A_19 = arith.constant 32 : i32
    %scan3A_20 = arith.addi %scan3A_18, %scan3A_19 : i32
    %scan3A_21 = arith.constant 1 : i32
    %scan3A_22 = scf.for %scan3A_24 = %scan3A_18 to %scan3A_20 step %scan3A_21 iter_args(%scan3A_25 = %scan3A) -> (i32)  : i32 {
      %mul3A_26 = arith.constant 6400 : i32
      %mul3A_27 = arith.muli %add3A, %mul3A_26 : i32
      %mul3A_28 = arith.constant 200 : i32
      %mul3A_29 = arith.muli %scan3A_24, %mul3A_28 : i32
      %add3A_30 = arith.addi %mul3A_27, %mul3A_29 : i32
      "tpu.region"() ({
        %run_scoped3A = tpu.sem_alloc : memref<!tpu.dma_semaphore, #tpu.memory_space<semaphore_mem>>
        %dma_start3A_69 = arith.constant 0 : i32
        %dma_start3A_70 = tpu.memref_slice %arg10[%dma_start3A_69] : memref<216xf32, #tpu.memory_space<vmem>> -> memref<200xf32, #tpu.memory_space<vmem>>
        %dma_start3A_71 = tpu.memref_slice %arg2[%add3A_30] : memref<204800xf32, #tpu.memory_space<hbm>> -> memref<200xf32, #tpu.memory_space<hbm>>
        %dma_start3A_72 = arith.constant 0 : i32
        %dma_start3A_73 = tpu.memref_slice %arg10[%dma_start3A_72] : memref<216xf32, #tpu.memory_space<vmem>> -> memref<200xf32, #tpu.memory_space<vmem>>
        %dma_start3A_74 = tpu.memref_slice %arg2[%add3A_30] : memref<204800xf32, #tpu.memory_space<hbm>> -> memref<200xf32, #tpu.memory_space<hbm>>
        tpu.enqueue_dma source(%dma_start3A_74 : memref<200xf32, #tpu.memory_space<hbm>>) target(%dma_start3A_73 : memref<200xf32, #tpu.memory_space<vmem>>) target_semaphore(%run_scoped3A : memref<!tpu.dma_semaphore, #tpu.memory_space<semaphore_mem>>)
        %dma_wait3A_75 = arith.constant 0 : i32
        %dma_wait3A_76 = tpu.memref_slice %arg10[%dma_wait3A_75] : memref<216xf32, #tpu.memory_space<vmem>> -> memref<200xf32, #tpu.memory_space<vmem>>
        %dma_wait3A_77 = tpu.memref_slice %arg2[%add3A_30] : memref<204800xf32, #tpu.memory_space<hbm>> -> memref<200xf32, #tpu.memory_space<hbm>>
        %dma_wait3A_78 = arith.constant 0 : i32
        %dma_wait3A_79 = tpu.memref_slice %arg10[%dma_wait3A_78] : memref<216xf32, #tpu.memory_space<vmem>> -> memref<200xf32, #tpu.memory_space<vmem>>
        %dma_wait3A_80 = tpu.memref_slice %arg2[%add3A_30] : memref<204800xf32, #tpu.memory_space<hbm>> -> memref<200xf32, #tpu.memory_space<hbm>>
        tpu.wait_dma2 semaphore(%run_scoped3A : memref<!tpu.dma_semaphore, #tpu.memory_space<semaphore_mem>>) src(%dma_wait3A_80 : memref<200xf32, #tpu.memory_space<hbm>>) dst(%dma_wait3A_79 : memref<200xf32, #tpu.memory_space<vmem>>)
        tpu.yield
      }) : () -> ()
      "tpu.region"() ({
        %run_scoped3A = tpu.sem_alloc : memref<!tpu.dma_semaphore, #tpu.memory_space<semaphore_mem>>
        %dma_start3A_69 = arith.constant 0 : i32
        %dma_start3A_70 = tpu.memref_slice %arg11[%dma_start3A_69] : memref<216xf32, #tpu.memory_space<vmem>> -> memref<200xf32, #tpu.memory_space<vmem>>
        %dma_start3A_71 = tpu.memref_slice %arg3[%add3A_30] : memref<204800xf32, #tpu.memory_space<hbm>> -> memref<200xf32, #tpu.memory_space<hbm>>
        %dma_start3A_72 = arith.constant 0 : i32
        %dma_start3A_73 = tpu.memref_slice %arg11[%dma_start3A_72] : memref<216xf32, #tpu.memory_space<vmem>> -> memref<200xf32, #tpu.memory_space<vmem>>
        %dma_start3A_74 = tpu.memref_slice %arg3[%add3A_30] : memref<204800xf32, #tpu.memory_space<hbm>> -> memref<200xf32, #tpu.memory_space<hbm>>
        tpu.enqueue_dma source(%dma_start3A_74 : memref<200xf32, #tpu.memory_space<hbm>>) target(%dma_start3A_73 : memref<200xf32, #tpu.memory_space<vmem>>) target_semaphore(%run_scoped3A : memref<!tpu.dma_semaphore, #tpu.memory_space<semaphore_mem>>)
        %dma_wait3A_75 = arith.constant 0 : i32
        %dma_wait3A_76 = tpu.memref_slice %arg11[%dma_wait3A_75] : memref<216xf32, #tpu.memory_space<vmem>> -> memref<200xf32, #tpu.memory_space<vmem>>
        %dma_wait3A_77 = tpu.memref_slice %arg3[%add3A_30] : memref<204800xf32, #tpu.memory_space<hbm>> -> memref<200xf32, #tpu.memory_space<hbm>>
        %dma_wait3A_78 = arith.constant 0 : i32
        %dma_wait3A_79 = tpu.memref_slice %arg11[%dma_wait3A_78] : memref<216xf32, #tpu.memory_space<vmem>> -> memref<200xf32, #tpu.memory_space<vmem>>
        %dma_wait3A_80 = tpu.memref_slice %arg3[%add3A_30] : memref<204800xf32, #tpu.memory_space<hbm>> -> memref<200xf32, #tpu.memory_space<hbm>>
        tpu.wait_dma2 semaphore(%run_scoped3A : memref<!tpu.dma_semaphore, #tpu.memory_space<semaphore_mem>>) src(%dma_wait3A_80 : memref<200xf32, #tpu.memory_space<hbm>>) dst(%dma_wait3A_79 : memref<200xf32, #tpu.memory_space<vmem>>)
        tpu.yield
      }) : () -> ()
      "tpu.region"() ({
        %run_scoped3A = tpu.sem_alloc : memref<!tpu.dma_semaphore, #tpu.memory_space<semaphore_mem>>
        %dma_start3A_69 = arith.constant 0 : i32
        %dma_start3A_70 = tpu.memref_slice %arg12[%dma_start3A_69] : memref<216xf32, #tpu.memory_space<vmem>> -> memref<200xf32, #tpu.memory_space<vmem>>
        %dma_start3A_71 = tpu.memref_slice %arg4[%add3A_30] : memref<204800xf32, #tpu.memory_space<hbm>> -> memref<200xf32, #tpu.memory_space<hbm>>
        %dma_start3A_72 = arith.constant 0 : i32
        %dma_start3A_73 = tpu.memref_slice %arg12[%dma_start3A_72] : memref<216xf32, #tpu.memory_space<vmem>> -> memref<200xf32, #tpu.memory_space<vmem>>
        %dma_start3A_74 = tpu.memref_slice %arg4[%add3A_30] : memref<204800xf32, #tpu.memory_space<hbm>> -> memref<200xf32, #tpu.memory_space<hbm>>
        tpu.enqueue_dma source(%dma_start3A_74 : memref<200xf32, #tpu.memory_space<hbm>>) target(%dma_start3A_73 : memref<200xf32, #tpu.memory_space<vmem>>) target_semaphore(%run_scoped3A : memref<!tpu.dma_semaphore, #tpu.memory_space<semaphore_mem>>)
        %dma_wait3A_75 = arith.constant 0 : i32
        %dma_wait3A_76 = tpu.memref_slice %arg12[%dma_wait3A_75] : memref<216xf32, #tpu.memory_space<vmem>> -> memref<200xf32, #tpu.memory_space<vmem>>
        %dma_wait3A_77 = tpu.memref_slice %arg4[%add3A_30] : memref<204800xf32, #tpu.memory_space<hbm>> -> memref<200xf32, #tpu.memory_space<hbm>>
        %dma_wait3A_78 = arith.constant 0 : i32
        %dma_wait3A_79 = tpu.memref_slice %arg12[%dma_wait3A_78] : memref<216xf32, #tpu.memory_space<vmem>> -> memref<200xf32, #tpu.memory_space<vmem>>
        %dma_wait3A_80 = tpu.memref_slice %arg4[%add3A_30] : memref<204800xf32, #tpu.memory_space<hbm>> -> memref<200xf32, #tpu.memory_space<hbm>>
        tpu.wait_dma2 semaphore(%run_scoped3A : memref<!tpu.dma_semaphore, #tpu.memory_space<semaphore_mem>>) src(%dma_wait3A_80 : memref<200xf32, #tpu.memory_space<hbm>>) dst(%dma_wait3A_79 : memref<200xf32, #tpu.memory_space<vmem>>)
        tpu.yield
      }) : () -> ()
      "tpu.region"() ({
        %run_scoped3A = tpu.sem_alloc : memref<!tpu.dma_semaphore, #tpu.memory_space<semaphore_mem>>
        %dma_start3A_69 = tpu.memref_slice %arg5[%add3A_30] : memref<204800xi32, #tpu.memory_space<hbm>> -> memref<200xi32, #tpu.memory_space<hbm>>
        %dma_start3A_70 = tpu.memref_slice %arg5[%add3A_30] : memref<204800xi32, #tpu.memory_space<hbm>> -> memref<200xi32, #tpu.memory_space<hbm>>
        tpu.enqueue_dma source(%dma_start3A_70 : memref<200xi32, #tpu.memory_space<hbm>>) target(%arg13 : memref<200xi32, #tpu.memory_space<vmem>>) target_semaphore(%run_scoped3A : memref<!tpu.dma_semaphore, #tpu.memory_space<semaphore_mem>>)
        %dma_wait3A_71 = tpu.memref_slice %arg5[%add3A_30] : memref<204800xi32, #tpu.memory_space<hbm>> -> memref<200xi32, #tpu.memory_space<hbm>>
        %dma_wait3A_72 = tpu.memref_slice %arg5[%add3A_30] : memref<204800xi32, #tpu.memory_space<hbm>> -> memref<200xi32, #tpu.memory_space<hbm>>
        tpu.wait_dma2 semaphore(%run_scoped3A : memref<!tpu.dma_semaphore, #tpu.memory_space<semaphore_mem>>) src(%dma_wait3A_72 : memref<200xi32, #tpu.memory_space<hbm>>) dst(%arg13 : memref<200xi32, #tpu.memory_space<vmem>>)
        tpu.yield
      }) : () -> ()
      %dma_start3A = arith.constant 0 : i32
      %dma_start3A_31 = arith.constant 0 : i32
      %dma_start3A_32 = tpu.memref_slice %arg14[%dma_start3A, %dma_start3A_31] : memref<200x32xf32, #tpu.memory_space<vmem>> -> memref<128x32xf32, #tpu.memory_space<vmem>>
      %dma_start3A_33 = arith.constant 0 : i32
      %dma_start3A_34 = tpu.memref_slice %arg13[%dma_start3A_33] : memref<200xi32, #tpu.memory_space<vmem>> -> memref<128xi32, #tpu.memory_space<vmem>>
      %dma_start3A_35 = arith.constant 0 : i32
      %dma_start3A_36 = arith.constant 0 : i32
      %dma_start3A_37 = tpu.memref_slice %arg6[%dma_start3A_35, %dma_start3A_36] : memref<1000000x32xf32, #tpu.memory_space<hbm>> -> memref<1000000x32xf32, #tpu.memory_space<hbm>>
      tpu.enqueue_indirect_dma source(%dma_start3A_37 : memref<1000000x32xf32, #tpu.memory_space<hbm>>) target(%dma_start3A_32 : memref<128x32xf32, #tpu.memory_space<vmem>>) offsets(%dma_start3A_34 : memref<128xi32, #tpu.memory_space<vmem>>) semaphore(%arg18 : memref<!tpu.dma_semaphore, #tpu.memory_space<semaphore_mem>>)
      %dma_start3A_38 = arith.constant 128 : i32
      %dma_start3A_39 = arith.constant 0 : i32
      %dma_start3A_40 = tpu.memref_slice %arg14[%dma_start3A_38, %dma_start3A_39] : memref<200x32xf32, #tpu.memory_space<vmem>> -> memref<72x32xf32, #tpu.memory_space<vmem>>
      %dma_start3A_41 = arith.constant 128 : i32
      %dma_start3A_42 = tpu.memref_slice %arg13[%dma_start3A_41] : memref<200xi32, #tpu.memory_space<vmem>> -> memref<72xi32, #tpu.memory_space<vmem>>
      %dma_start3A_43 = arith.constant 0 : i32
      %dma_start3A_44 = arith.constant 0 : i32
      %dma_start3A_45 = tpu.memref_slice %arg6[%dma_start3A_43, %dma_start3A_44] : memref<1000000x32xf32, #tpu.memory_space<hbm>> -> memref<1000000x32xf32, #tpu.memory_space<hbm>>
      tpu.enqueue_indirect_dma source(%dma_start3A_45 : memref<1000000x32xf32, #tpu.memory_space<hbm>>) target(%dma_start3A_40 : memref<72x32xf32, #tpu.memory_space<vmem>>) offsets(%dma_start3A_42 : memref<72xi32, #tpu.memory_space<vmem>>) semaphore(%arg18 : memref<!tpu.dma_semaphore, #tpu.memory_space<semaphore_mem>>)
      %dma_wait3A = arith.constant 0 : i32
      %dma_wait3A_46 = arith.constant 0 : i32
      %dma_wait3A_47 = tpu.memref_slice %arg14[%dma_wait3A, %dma_wait3A_46] : memref<200x32xf32, #tpu.memory_space<vmem>> -> memref<128x32xf32, #tpu.memory_space<vmem>>
      %dma_wait3A_48 = arith.constant 0 : i32
      %dma_wait3A_49 = tpu.memref_slice %arg13[%dma_wait3A_48] : memref<200xi32, #tpu.memory_space<vmem>> -> memref<128xi32, #tpu.memory_space<vmem>>
      %dma_wait3A_50 = arith.constant 0 : i32
      %dma_wait3A_51 = arith.constant 0 : i32
      %dma_wait3A_52 = tpu.memref_slice %arg6[%dma_wait3A_50, %dma_wait3A_51] : memref<1000000x32xf32, #tpu.memory_space<hbm>> -> memref<1000000x32xf32, #tpu.memory_space<hbm>>
      tpu.wait_indirect_dma semaphore(%arg18 : memref<!tpu.dma_semaphore, #tpu.memory_space<semaphore_mem>>) src(%dma_wait3A_52 : memref<1000000x32xf32, #tpu.memory_space<hbm>>) dst(%dma_wait3A_47 : memref<128x32xf32, #tpu.memory_space<vmem>>)
      %dma_wait3A_53 = arith.constant 128 : i32
      %dma_wait3A_54 = arith.constant 0 : i32
      %dma_wait3A_55 = tpu.memref_slice %arg14[%dma_wait3A_53, %dma_wait3A_54] : memref<200x32xf32, #tpu.memory_space<vmem>> -> memref<72x32xf32, #tpu.memory_space<vmem>>
      %dma_wait3A_56 = arith.constant 128 : i32
      %dma_wait3A_57 = tpu.memref_slice %arg13[%dma_wait3A_56] : memref<200xi32, #tpu.memory_space<vmem>> -> memref<72xi32, #tpu.memory_space<vmem>>
      %dma_wait3A_58 = arith.constant 0 : i32
      %dma_wait3A_59 = arith.constant 0 : i32
      %dma_wait3A_60 = tpu.memref_slice %arg6[%dma_wait3A_58, %dma_wait3A_59] : memref<1000000x32xf32, #tpu.memory_space<hbm>> -> memref<1000000x32xf32, #tpu.memory_space<hbm>>
      tpu.wait_indirect_dma semaphore(%arg18 : memref<!tpu.dma_semaphore, #tpu.memory_space<semaphore_mem>>) src(%dma_wait3A_60 : memref<1000000x32xf32, #tpu.memory_space<hbm>>) dst(%dma_wait3A_55 : memref<72x32xf32, #tpu.memory_space<vmem>>)
      %scan3A_61 = arith.constant 0 : i32
      %scan3A_62 = arith.constant 0 : i32
      %scan3A_63 = arith.constant 50 : i32
      %scan3A_64 = arith.addi %scan3A_62, %scan3A_63 : i32
      %scan3A_65 = arith.constant 1 : i32
      %scan3A_66 = scf.for %scan3A_69 = %scan3A_62 to %scan3A_64 step %scan3A_65 iter_args(%scan3A_70 = %scan3A_61) -> (i32)  : i32 {
        %get3A_71 = arith.index_cast %scan3A_69 : i32 to index
        %get3A_72 = arith.constant 0 : index
        %get3A_73 = tpu.vector_load %arg16[%get3A_71, %get3A_72] {strides = array<i32>} : memref<50x128xf32, #tpu.memory_space<vmem>>, vector<1x16xf32>,
        %get3A_74 = vector.shape_cast %get3A_73 : vector<1x16xf32> to vector<16xf32>
        %get3A_75 = arith.index_cast %scan3A_69 : i32 to index
        %get3A_76 = arith.constant 16 : index
        %get3A_77 = tpu.vector_load %arg16[%get3A_75, %get3A_76] {strides = array<i32>} : memref<50x128xf32, #tpu.memory_space<vmem>>, vector<1x16xf32>,
        %get3A_78 = vector.shape_cast %get3A_77 : vector<1x16xf32> to vector<16xf32>
        %get3A_79 = arith.index_cast %scan3A_69 : i32 to index
        %get3A_80 = arith.constant 32 : index
        %get3A_81 = tpu.vector_load %arg16[%get3A_79, %get3A_80] {strides = array<i32>} : memref<50x128xf32, #tpu.memory_space<vmem>>, vector<1x16xf32>,
        %get3A_82 = vector.shape_cast %get3A_81 : vector<1x16xf32> to vector<16xf32>
        %get3A_83 = arith.index_cast %scan3A_69 : i32 to index
        %get3A_84 = arith.constant 48 : index
        %get3A_85 = tpu.vector_load %arg16[%get3A_83, %get3A_84] {strides = array<i32>} : memref<50x128xf32, #tpu.memory_space<vmem>>, vector<1x16xf32>,
        %get3A_86 = vector.shape_cast %get3A_85 : vector<1x16xf32> to vector<16xf32>
        %get3A_87 = arith.index_cast %scan3A_69 : i32 to index
        %get3A_88 = arith.constant 64 : index
        %get3A_89 = tpu.vector_load %arg16[%get3A_87, %get3A_88] {strides = array<i32>} : memref<50x128xf32, #tpu.memory_space<vmem>>, vector<1x16xf32>,
        %get3A_90 = vector.shape_cast %get3A_89 : vector<1x16xf32> to vector<16xf32>
        %get3A_91 = arith.index_cast %scan3A_69 : i32 to index
        %get3A_92 = arith.constant 80 : index
        %get3A_93 = tpu.vector_load %arg16[%get3A_91, %get3A_92] {strides = array<i32>} : memref<50x128xf32, #tpu.memory_space<vmem>>, vector<1x16xf32>,
        %get3A_94 = vector.shape_cast %get3A_93 : vector<1x16xf32> to vector<16xf32>
        %get3A_95 = arith.index_cast %scan3A_69 : i32 to index
        %get3A_96 = arith.constant 96 : index
        %get3A_97 = tpu.vector_load %arg16[%get3A_95, %get3A_96] {strides = array<i32>} : memref<50x128xf32, #tpu.memory_space<vmem>>, vector<1x16xf32>,
        %get3A_98 = vector.shape_cast %get3A_97 : vector<1x16xf32> to vector<16xf32>
        %get3A_99 = arith.index_cast %scan3A_69 : i32 to index
        %get3A_100 = arith.constant 112 : index
        %get3A_101 = tpu.vector_load %arg16[%get3A_99, %get3A_100] {strides = array<i32>} : memref<50x128xf32, #tpu.memory_space<vmem>>, vector<1x16xf32>,
        %get3A_102 = vector.shape_cast %get3A_101 : vector<1x16xf32> to vector<16xf32>
        %add3A_103 = arith.constant 0 : i32
        %add3A_104 = arith.addi %add3A_103, %scan3A_69 : i32
        %get3A_105 = arith.index_cast %add3A_104 : i32 to index
        %get3A_106 = tpu.vector_load %arg10[%get3A_105] {strides = array<i32>} : memref<216xf32, #tpu.memory_space<vmem>>, vector<16xf32>,
        %get3A_107 = vector.shape_cast %get3A_106 : vector<16xf32> to vector<16xf32>
        %slice3A = vector.extract_strided_slice %get3A_107 {offsets = [0], sizes = [1], strides = [1]} : vector<16xf32> to vector<1xf32>
        %squeeze3A = vector.extract %slice3A[0] : f32 from vector<1xf32>
        %get3A_108 = arith.index_cast %add3A_104 : i32 to index
        %get3A_109 = tpu.vector_load %arg11[%get3A_108] {strides = array<i32>} : memref<216xf32, #tpu.memory_space<vmem>>, vector<16xf32>,
        %get3A_110 = vector.shape_cast %get3A_109 : vector<16xf32> to vector<16xf32>
        %slice3A_111 = vector.extract_strided_slice %get3A_110 {offsets = [0], sizes = [1], strides = [1]} : vector<16xf32> to vector<1xf32>
        %squeeze3A_112 = vector.extract %slice3A_111[0] : f32 from vector<1xf32>
        %get3A_113 = arith.index_cast %add3A_104 : i32 to index
        %get3A_114 = tpu.vector_load %arg12[%get3A_113] {strides = array<i32>} : memref<216xf32, #tpu.memory_space<vmem>>, vector<16xf32>,
        %get3A_115 = vector.shape_cast %get3A_114 : vector<16xf32> to vector<16xf32>
        %slice3A_116 = vector.extract_strided_slice %get3A_115 {offsets = [0], sizes = [1], strides = [1]} : vector<16xf32> to vector<1xf32>
        %squeeze3A_117 = vector.extract %slice3A_116[0] : f32 from vector<1xf32>
        %mul3A_118 = vector.broadcast %squeeze3A : f32 to vector<16xf32>
        %mul3A_119 = arith.mulf %mul3A_118, %get3A_2 : vector<16xf32>
        %add3A_120 = arith.addf %mul3A_119, %get3A_74 : vector<16xf32>
        %swap3A = arith.index_cast %add3A_104 : i32 to index
        %swap3A_121 = arith.constant 0 : index
        %swap3A_122 = tpu.vector_load %arg15[%swap3A, %swap3A_121] {strides = array<i32>} : memref<200x128xf32, #tpu.memory_space<vmem>>, vector<1x16xf32>,
        %swap3A_123 = vector.shape_cast %swap3A_122 : vector<1x16xf32> to vector<16xf32>
        %swap3A_124 = vector.shape_cast %add3A_120 : vector<16xf32> to vector<1x16xf32>
        tpu.vector_store %arg15[%swap3A, %swap3A_121], %swap3A_124 {strides = array<i32>} : memref<200x128xf32, #tpu.memory_space<vmem>>, vector<1x16xf32>,
        %mul3A_125 = vector.broadcast %squeeze3A : f32 to vector<16xf32>
        %mul3A_126 = arith.mulf %mul3A_125, %get3A_5 : vector<16xf32>
        %add3A_127 = arith.addf %mul3A_126, %get3A_78 : vector<16xf32>
        %swap3A_128 = arith.index_cast %add3A_104 : i32 to index
        %swap3A_129 = arith.constant 16 : index
        %swap3A_130 = tpu.vector_load %arg15[%swap3A_128, %swap3A_129] {strides = array<i32>} : memref<200x128xf32, #tpu.memory_space<vmem>>, vector<1x16xf32>,
        %swap3A_131 = vector.shape_cast %swap3A_130 : vector<1x16xf32> to vector<16xf32>
        %swap3A_132 = vector.shape_cast %add3A_127 : vector<16xf32> to vector<1x16xf32>
        tpu.vector_store %arg15[%swap3A_128, %swap3A_129], %swap3A_132 {strides = array<i32>} : memref<200x128xf32, #tpu.memory_space<vmem>>, vector<1x16xf32>,
        %mul3A_133 = vector.broadcast %squeeze3A_112 : f32 to vector<16xf32>
        %mul3A_134 = arith.mulf %mul3A_133, %get3A_8 : vector<16xf32>
        %add3A_135 = arith.addf %mul3A_134, %get3A_82 : vector<16xf32>
        %swap3A_136 = arith.index_cast %add3A_104 : i32 to index
        %swap3A_137 = arith.constant 32 : index
        %swap3A_138 = tpu.vector_load %arg15[%swap3A_136, %swap3A_137] {strides = array<i32>} : memref<200x128xf32, #tpu.memory_space<vmem>>, vector<1x16xf32>,
        %swap3A_139 = vector.shape_cast %swap3A_138 : vector<1x16xf32> to vector<16xf32>
        %swap3A_140 = vector.shape_cast %add3A_135 : vector<16xf32> to vector<1x16xf32>
        tpu.vector_store %arg15[%swap3A_136, %swap3A_137], %swap3A_140 {strides = array<i32>} : memref<200x128xf32, #tpu.memory_space<vmem>>, vector<1x16xf32>,
        %mul3A_141 = vector.broadcast %squeeze3A_112 : f32 to vector<16xf32>
        %mul3A_142 = arith.mulf %mul3A_141, %get3A_11 : vector<16xf32>
        %add3A_143 = arith.addf %mul3A_142, %get3A_86 : vector<16xf32>
        %swap3A_144 = arith.index_cast %add3A_104 : i32 to index
        %swap3A_145 = arith.constant 48 : index
        %swap3A_146 = tpu.vector_load %arg15[%swap3A_144, %swap3A_145] {strides = array<i32>} : memref<200x128xf32, #tpu.memory_space<vmem>>, vector<1x16xf32>,
        %swap3A_147 = vector.shape_cast %swap3A_146 : vector<1x16xf32> to vector<16xf32>
        %swap3A_148 = vector.shape_cast %add3A_143 : vector<16xf32> to vector<1x16xf32>
        tpu.vector_store %arg15[%swap3A_144, %swap3A_145], %swap3A_148 {strides = array<i32>} : memref<200x128xf32, #tpu.memory_space<vmem>>, vector<1x16xf32>,
        %mul3A_149 = vector.broadcast %squeeze3A_117 : f32 to vector<16xf32>
        %mul3A_150 = arith.mulf %mul3A_149, %get3A_14 : vector<16xf32>
        %add3A_151 = arith.addf %mul3A_150, %get3A_90 : vector<16xf32>
        %swap3A_152 = arith.index_cast %add3A_104 : i32 to index
        %swap3A_153 = arith.constant 64 : index
        %swap3A_154 = tpu.vector_load %arg15[%swap3A_152, %swap3A_153] {strides = array<i32>} : memref<200x128xf32, #tpu.memory_space<vmem>>, vector<1x16xf32>,
        %swap3A_155 = vector.shape_cast %swap3A_154 : vector<1x16xf32> to vector<16xf32>
        %swap3A_156 = vector.shape_cast %add3A_151 : vector<16xf32> to vector<1x16xf32>
        tpu.vector_store %arg15[%swap3A_152, %swap3A_153], %swap3A_156 {strides = array<i32>} : memref<200x128xf32, #tpu.memory_space<vmem>>, vector<1x16xf32>,
        %mul3A_157 = vector.broadcast %squeeze3A_117 : f32 to vector<16xf32>
        %mul3A_158 = arith.mulf %mul3A_157, %get3A_17 : vector<16xf32>
        %add3A_159 = arith.addf %mul3A_158, %get3A_94 : vector<16xf32>
        %swap3A_160 = arith.index_cast %add3A_104 : i32 to index
        %swap3A_161 = arith.constant 80 : index
        %swap3A_162 = tpu.vector_load %arg15[%swap3A_160, %swap3A_161] {strides = array<i32>} : memref<200x128xf32, #tpu.memory_space<vmem>>, vector<1x16xf32>,
        %swap3A_163 = vector.shape_cast %swap3A_162 : vector<1x16xf32> to vector<16xf32>
        %swap3A_164 = vector.shape_cast %add3A_159 : vector<16xf32> to vector<1x16xf32>
        tpu.vector_store %arg15[%swap3A_160, %swap3A_161], %swap3A_164 {strides = array<i32>} : memref<200x128xf32, #tpu.memory_space<vmem>>, vector<1x16xf32>,
        %get3A_165 = arith.index_cast %add3A_104 : i32 to index
        %get3A_166 = arith.constant 0 : index
        %get3A_167 = tpu.vector_load %arg14[%get3A_165, %get3A_166] {strides = array<i32>} : memref<200x32xf32, #tpu.memory_space<vmem>>, vector<1x16xf32>,
        %get3A_168 = vector.shape_cast %get3A_167 : vector<1x16xf32> to vector<16xf32>
        %add3A_169 = arith.addf %get3A_168, %get3A_98 : vector<16xf32>
        %swap3A_170 = arith.index_cast %add3A_104 : i32 to index
        %swap3A_171 = arith.constant 96 : index
        %swap3A_172 = tpu.vector_load %arg15[%swap3A_170, %swap3A_171] {strides = array<i32>} : memref<200x128xf32, #tpu.memory_space<vmem>>, vector<1x16xf32>,
        %swap3A_173 = vector.shape_cast %swap3A_172 : vector<1x16xf32> to vector<16xf32>
        %swap3A_174 = vector.shape_cast %add3A_169 : vector<16xf32> to vector<1x16xf32>
        tpu.vector_store %arg15[%swap3A_170, %swap3A_171], %swap3A_174 {strides = array<i32>} : memref<200x128xf32, #tpu.memory_space<vmem>>, vector<1x16xf32>,
        %get3A_175 = arith.index_cast %add3A_104 : i32 to index
        %get3A_176 = arith.constant 16 : index
        %get3A_177 = tpu.vector_load %arg14[%get3A_175, %get3A_176] {strides = array<i32>} : memref<200x32xf32, #tpu.memory_space<vmem>>, vector<1x16xf32>,
        %get3A_178 = vector.shape_cast %get3A_177 : vector<1x16xf32> to vector<16xf32>
        %add3A_179 = arith.addf %get3A_178, %get3A_102 : vector<16xf32>
        %swap3A_180 = arith.index_cast %add3A_104 : i32 to index
        %swap3A_181 = arith.constant 112 : index
        %swap3A_182 = tpu.vector_load %arg15[%swap3A_180, %swap3A_181] {strides = array<i32>} : memref<200x128xf32, #tpu.memory_space<vmem>>, vector<1x16xf32>,
        %swap3A_183 = vector.shape_cast %swap3A_182 : vector<1x16xf32> to vector<16xf32>
        %swap3A_184 = vector.shape_cast %add3A_179 : vector<16xf32> to vector<1x16xf32>
        tpu.vector_store %arg15[%swap3A_180, %swap3A_181], %swap3A_184 {strides = array<i32>} : memref<200x128xf32, #tpu.memory_space<vmem>>, vector<1x16xf32>,
        %add3A_185 = arith.constant 50 : i32
        %add3A_186 = arith.addi %add3A_185, %scan3A_69 : i32
        %get3A_187 = arith.index_cast %add3A_186 : i32 to index
        %get3A_188 = tpu.vector_load %arg10[%get3A_187] {strides = array<i32>} : memref<216xf32, #tpu.memory_space<vmem>>, vector<16xf32>,
        %get3A_189 = vector.shape_cast %get3A_188 : vector<16xf32> to vector<16xf32>
        %slice3A_190 = vector.extract_strided_slice %get3A_189 {offsets = [0], sizes = [1], strides = [1]} : vector<16xf32> to vector<1xf32>
        %squeeze3A_191 = vector.extract %slice3A_190[0] : f32 from vector<1xf32>
        %get3A_192 = arith.index_cast %add3A_186 : i32 to index
        %get3A_193 = tpu.vector_load %arg11[%get3A_192] {strides = array<i32>} : memref<216xf32, #tpu.memory_space<vmem>>, vector<16xf32>,
        %get3A_194 = vector.shape_cast %get3A_193 : vector<16xf32> to vector<16xf32>
        %slice3A_195 = vector.extract_strided_slice %get3A_194 {offsets = [0], sizes = [1], strides = [1]} : vector<16xf32> to vector<1xf32>
        %squeeze3A_196 = vector.extract %slice3A_195[0] : f32 from vector<1xf32>
        %get3A_197 = arith.index_cast %add3A_186 : i32 to index
        %get3A_198 = tpu.vector_load %arg12[%get3A_197] {strides = array<i32>} : memref<216xf32, #tpu.memory_space<vmem>>, vector<16xf32>,
        %get3A_199 = vector.shape_cast %get3A_198 : vector<16xf32> to vector<16xf32>
        %slice3A_200 = vector.extract_strided_slice %get3A_199 {offsets = [0], sizes = [1], strides = [1]} : vector<16xf32> to vector<1xf32>
        %squeeze3A_201 = vector.extract %slice3A_200[0] : f32 from vector<1xf32>
        %mul3A_202 = vector.broadcast %squeeze3A_191 : f32 to vector<16xf32>
        %mul3A_203 = arith.mulf %mul3A_202, %get3A_2 : vector<16xf32>
        %add3A_204 = arith.addf %mul3A_203, %get3A_74 : vector<16xf32>
        %swap3A_205 = arith.index_cast %add3A_186 : i32 to index
        %swap3A_206 = arith.constant 0 : index
        %swap3A_207 = tpu.vector_load %arg15[%swap3A_205, %swap3A_206] {strides = array<i32>} : memref<200x128xf32, #tpu.memory_space<vmem>>, vector<1x16xf32>,
        %swap3A_208 = vector.shape_cast %swap3A_207 : vector<1x16xf32> to vector<16xf32>
        %swap3A_209 = vector.shape_cast %add3A_204 : vector<16xf32> to vector<1x16xf32>
        tpu.vector_store %arg15[%swap3A_205, %swap3A_206], %swap3A_209 {strides = array<i32>} : memref<200x128xf32, #tpu.memory_space<vmem>>, vector<1x16xf32>,
        %mul3A_210 = vector.broadcast %squeeze3A_191 : f32 to vector<16xf32>
        %mul3A_211 = arith.mulf %mul3A_210, %get3A_5 : vector<16xf32>
        %add3A_212 = arith.addf %mul3A_211, %get3A_78 : vector<16xf32>
        %swap3A_213 = arith.index_cast %add3A_186 : i32 to index
        %swap3A_214 = arith.constant 16 : index
        %swap3A_215 = tpu.vector_load %arg15[%swap3A_213, %swap3A_214] {strides = array<i32>} : memref<200x128xf32, #tpu.memory_space<vmem>>, vector<1x16xf32>,
        %swap3A_216 = vector.shape_cast %swap3A_215 : vector<1x16xf32> to vector<16xf32>
        %swap3A_217 = vector.shape_cast %add3A_212 : vector<16xf32> to vector<1x16xf32>
        tpu.vector_store %arg15[%swap3A_213, %swap3A_214], %swap3A_217 {strides = array<i32>} : memref<200x128xf32, #tpu.memory_space<vmem>>, vector<1x16xf32>,
        %mul3A_218 = vector.broadcast %squeeze3A_196 : f32 to vector<16xf32>
        %mul3A_219 = arith.mulf %mul3A_218, %get3A_8 : vector<16xf32>
        %add3A_220 = arith.addf %mul3A_219, %get3A_82 : vector<16xf32>
        %swap3A_221 = arith.index_cast %add3A_186 : i32 to index
        %swap3A_222 = arith.constant 32 : index
        %swap3A_223 = tpu.vector_load %arg15[%swap3A_221, %swap3A_222] {strides = array<i32>} : memref<200x128xf32, #tpu.memory_space<vmem>>, vector<1x16xf32>,
        %swap3A_224 = vector.shape_cast %swap3A_223 : vector<1x16xf32> to vector<16xf32>
        %swap3A_225 = vector.shape_cast %add3A_220 : vector<16xf32> to vector<1x16xf32>
        tpu.vector_store %arg15[%swap3A_221, %swap3A_222], %swap3A_225 {strides = array<i32>} : memref<200x128xf32, #tpu.memory_space<vmem>>, vector<1x16xf32>,
        %mul3A_226 = vector.broadcast %squeeze3A_196 : f32 to vector<16xf32>
        %mul3A_227 = arith.mulf %mul3A_226, %get3A_11 : vector<16xf32>
        %add3A_228 = arith.addf %mul3A_227, %get3A_86 : vector<16xf32>
        %swap3A_229 = arith.index_cast %add3A_186 : i32 to index
        %swap3A_230 = arith.constant 48 : index
        %swap3A_231 = tpu.vector_load %arg15[%swap3A_229, %swap3A_230] {strides = array<i32>} : memref<200x128xf32, #tpu.memory_space<vmem>>, vector<1x16xf32>,
        %swap3A_232 = vector.shape_cast %swap3A_231 : vector<1x16xf32> to vector<16xf32>
        %swap3A_233 = vector.shape_cast %add3A_228 : vector<16xf32> to vector<1x16xf32>
        tpu.vector_store %arg15[%swap3A_229, %swap3A_230], %swap3A_233 {strides = array<i32>} : memref<200x128xf32, #tpu.memory_space<vmem>>, vector<1x16xf32>,
        %mul3A_234 = vector.broadcast %squeeze3A_201 : f32 to vector<16xf32>
        %mul3A_235 = arith.mulf %mul3A_234, %get3A_14 : vector<16xf32>
        %add3A_236 = arith.addf %mul3A_235, %get3A_90 : vector<16xf32>
        %swap3A_237 = arith.index_cast %add3A_186 : i32 to index
        %swap3A_238 = arith.constant 64 : index
        %swap3A_239 = tpu.vector_load %arg15[%swap3A_237, %swap3A_238] {strides = array<i32>} : memref<200x128xf32, #tpu.memory_space<vmem>>, vector<1x16xf32>,
        %swap3A_240 = vector.shape_cast %swap3A_239 : vector<1x16xf32> to vector<16xf32>
        %swap3A_241 = vector.shape_cast %add3A_236 : vector<16xf32> to vector<1x16xf32>
        tpu.vector_store %arg15[%swap3A_237, %swap3A_238], %swap3A_241 {strides = array<i32>} : memref<200x128xf32, #tpu.memory_space<vmem>>, vector<1x16xf32>,
        %mul3A_242 = vector.broadcast %squeeze3A_201 : f32 to vector<16xf32>
        %mul3A_243 = arith.mulf %mul3A_242, %get3A_17 : vector<16xf32>
        %add3A_244 = arith.addf %mul3A_243, %get3A_94 : vector<16xf32>
        %swap3A_245 = arith.index_cast %add3A_186 : i32 to index
        %swap3A_246 = arith.constant 80 : index
        %swap3A_247 = tpu.vector_load %arg15[%swap3A_245, %swap3A_246] {strides = array<i32>} : memref<200x128xf32, #tpu.memory_space<vmem>>, vector<1x16xf32>,
        %swap3A_248 = vector.shape_cast %swap3A_247 : vector<1x16xf32> to vector<16xf32>
        %swap3A_249 = vector.shape_cast %add3A_244 : vector<16xf32> to vector<1x16xf32>
        tpu.vector_store %arg15[%swap3A_245, %swap3A_246], %swap3A_249 {strides = array<i32>} : memref<200x128xf32, #tpu.memory_space<vmem>>, vector<1x16xf32>,
        %get3A_250 = arith.index_cast %add3A_186 : i32 to index
        %get3A_251 = arith.constant 0 : index
        %get3A_252 = tpu.vector_load %arg14[%get3A_250, %get3A_251] {strides = array<i32>} : memref<200x32xf32, #tpu.memory_space<vmem>>, vector<1x16xf32>,
        %get3A_253 = vector.shape_cast %get3A_252 : vector<1x16xf32> to vector<16xf32>
        %add3A_254 = arith.addf %get3A_253, %get3A_98 : vector<16xf32>
        %swap3A_255 = arith.index_cast %add3A_186 : i32 to index
        %swap3A_256 = arith.constant 96 : index
        %swap3A_257 = tpu.vector_load %arg15[%swap3A_255, %swap3A_256] {strides = array<i32>} : memref<200x128xf32, #tpu.memory_space<vmem>>, vector<1x16xf32>,
        %swap3A_258 = vector.shape_cast %swap3A_257 : vector<1x16xf32> to vector<16xf32>
        %swap3A_259 = vector.shape_cast %add3A_254 : vector<16xf32> to vector<1x16xf32>
        tpu.vector_store %arg15[%swap3A_255, %swap3A_256], %swap3A_259 {strides = array<i32>} : memref<200x128xf32, #tpu.memory_space<vmem>>, vector<1x16xf32>,
        %get3A_260 = arith.index_cast %add3A_186 : i32 to index
        %get3A_261 = arith.constant 16 : index
        %get3A_262 = tpu.vector_load %arg14[%get3A_260, %get3A_261] {strides = array<i32>} : memref<200x32xf32, #tpu.memory_space<vmem>>, vector<1x16xf32>,
        %get3A_263 = vector.shape_cast %get3A_262 : vector<1x16xf32> to vector<16xf32>
        %add3A_264 = arith.addf %get3A_263, %get3A_102 : vector<16xf32>
        %swap3A_265 = arith.index_cast %add3A_186 : i32 to index
        %swap3A_266 = arith.constant 112 : index
        %swap3A_267 = tpu.vector_load %arg15[%swap3A_265, %swap3A_266] {strides = array<i32>} : memref<200x128xf32, #tpu.memory_space<vmem>>, vector<1x16xf32>,
        %swap3A_268 = vector.shape_cast %swap3A_267 : vector<1x16xf32> to vector<16xf32>
        %swap3A_269 = vector.shape_cast %add3A_264 : vector<16xf32> to vector<1x16xf32>
        tpu.vector_store %arg15[%swap3A_265, %swap3A_266], %swap3A_269 {strides = array<i32>} : memref<200x128xf32, #tpu.memory_space<vmem>>, vector<1x16xf32>,
        %add3A_270 = arith.constant 100 : i32
        %add3A_271 = arith.addi %add3A_270, %scan3A_69 : i32
        %get3A_272 = arith.index_cast %add3A_271 : i32 to index
        %get3A_273 = tpu.vector_load %arg10[%get3A_272] {strides = array<i32>} : memref<216xf32, #tpu.memory_space<vmem>>, vector<16xf32>,
        %get3A_274 = vector.shape_cast %get3A_273 : vector<16xf32> to vector<16xf32>
        %slice3A_275 = vector.extract_strided_slice %get3A_274 {offsets = [0], sizes = [1], strides = [1]} : vector<16xf32> to vector<1xf32>
        %squeeze3A_276 = vector.extract %slice3A_275[0] : f32 from vector<1xf32>
        %get3A_277 = arith.index_cast %add3A_271 : i32 to index
        %get3A_278 = tpu.vector_load %arg11[%get3A_277] {strides = array<i32>} : memref<216xf32, #tpu.memory_space<vmem>>, vector<16xf32>,
        %get3A_279 = vector.shape_cast %get3A_278 : vector<16xf32> to vector<16xf32>
        %slice3A_280 = vector.extract_strided_slice %get3A_279 {offsets = [0], sizes = [1], strides = [1]} : vector<16xf32> to vector<1xf32>
        %squeeze3A_281 = vector.extract %slice3A_280[0] : f32 from vector<1xf32>
        %get3A_282 = arith.index_cast %add3A_271 : i32 to index
        %get3A_283 = tpu.vector_load %arg12[%get3A_282] {strides = array<i32>} : memref<216xf32, #tpu.memory_space<vmem>>, vector<16xf32>,
        %get3A_284 = vector.shape_cast %get3A_283 : vector<16xf32> to vector<16xf32>
        %slice3A_285 = vector.extract_strided_slice %get3A_284 {offsets = [0], sizes = [1], strides = [1]} : vector<16xf32> to vector<1xf32>
        %squeeze3A_286 = vector.extract %slice3A_285[0] : f32 from vector<1xf32>
        %mul3A_287 = vector.broadcast %squeeze3A_276 : f32 to vector<16xf32>
        %mul3A_288 = arith.mulf %mul3A_287, %get3A_2 : vector<16xf32>
        %add3A_289 = arith.addf %mul3A_288, %get3A_74 : vector<16xf32>
        %swap3A_290 = arith.index_cast %add3A_271 : i32 to index
        %swap3A_291 = arith.constant 0 : index
        %swap3A_292 = tpu.vector_load %arg15[%swap3A_290, %swap3A_291] {strides = array<i32>} : memref<200x128xf32, #tpu.memory_space<vmem>>, vector<1x16xf32>,
        %swap3A_293 = vector.shape_cast %swap3A_292 : vector<1x16xf32> to vector<16xf32>
        %swap3A_294 = vector.shape_cast %add3A_289 : vector<16xf32> to vector<1x16xf32>
        tpu.vector_store %arg15[%swap3A_290, %swap3A_291], %swap3A_294 {strides = array<i32>} : memref<200x128xf32, #tpu.memory_space<vmem>>, vector<1x16xf32>,
        %mul3A_295 = vector.broadcast %squeeze3A_276 : f32 to vector<16xf32>
        %mul3A_296 = arith.mulf %mul3A_295, %get3A_5 : vector<16xf32>
        %add3A_297 = arith.addf %mul3A_296, %get3A_78 : vector<16xf32>
        %swap3A_298 = arith.index_cast %add3A_271 : i32 to index
        %swap3A_299 = arith.constant 16 : index
        %swap3A_300 = tpu.vector_load %arg15[%swap3A_298, %swap3A_299] {strides = array<i32>} : memref<200x128xf32, #tpu.memory_space<vmem>>, vector<1x16xf32>,
        %swap3A_301 = vector.shape_cast %swap3A_300 : vector<1x16xf32> to vector<16xf32>
        %swap3A_302 = vector.shape_cast %add3A_297 : vector<16xf32> to vector<1x16xf32>
        tpu.vector_store %arg15[%swap3A_298, %swap3A_299], %swap3A_302 {strides = array<i32>} : memref<200x128xf32, #tpu.memory_space<vmem>>, vector<1x16xf32>,
        %mul3A_303 = vector.broadcast %squeeze3A_281 : f32 to vector<16xf32>
        %mul3A_304 = arith.mulf %mul3A_303, %get3A_8 : vector<16xf32>
        %add3A_305 = arith.addf %mul3A_304, %get3A_82 : vector<16xf32>
        %swap3A_306 = arith.index_cast %add3A_271 : i32 to index
        %swap3A_307 = arith.constant 32 : index
        %swap3A_308 = tpu.vector_load %arg15[%swap3A_306, %swap3A_307] {strides = array<i32>} : memref<200x128xf32, #tpu.memory_space<vmem>>, vector<1x16xf32>,
        %swap3A_309 = vector.shape_cast %swap3A_308 : vector<1x16xf32> to vector<16xf32>
        %swap3A_310 = vector.shape_cast %add3A_305 : vector<16xf32> to vector<1x16xf32>
        tpu.vector_store %arg15[%swap3A_306, %swap3A_307], %swap3A_310 {strides = array<i32>} : memref<200x128xf32, #tpu.memory_space<vmem>>, vector<1x16xf32>,
        %mul3A_311 = vector.broadcast %squeeze3A_281 : f32 to vector<16xf32>
        %mul3A_312 = arith.mulf %mul3A_311, %get3A_11 : vector<16xf32>
        %add3A_313 = arith.addf %mul3A_312, %get3A_86 : vector<16xf32>
        %swap3A_314 = arith.index_cast %add3A_271 : i32 to index
        %swap3A_315 = arith.constant 48 : index
        %swap3A_316 = tpu.vector_load %arg15[%swap3A_314, %swap3A_315] {strides = array<i32>} : memref<200x128xf32, #tpu.memory_space<vmem>>, vector<1x16xf32>,
        %swap3A_317 = vector.shape_cast %swap3A_316 : vector<1x16xf32> to vector<16xf32>
        %swap3A_318 = vector.shape_cast %add3A_313 : vector<16xf32> to vector<1x16xf32>
        tpu.vector_store %arg15[%swap3A_314, %swap3A_315], %swap3A_318 {strides = array<i32>} : memref<200x128xf32, #tpu.memory_space<vmem>>, vector<1x16xf32>,
        %mul3A_319 = vector.broadcast %squeeze3A_286 : f32 to vector<16xf32>
        %mul3A_320 = arith.mulf %mul3A_319, %get3A_14 : vector<16xf32>
        %add3A_321 = arith.addf %mul3A_320, %get3A_90 : vector<16xf32>
        %swap3A_322 = arith.index_cast %add3A_271 : i32 to index
        %swap3A_323 = arith.constant 64 : index
        %swap3A_324 = tpu.vector_load %arg15[%swap3A_322, %swap3A_323] {strides = array<i32>} : memref<200x128xf32, #tpu.memory_space<vmem>>, vector<1x16xf32>,
        %swap3A_325 = vector.shape_cast %swap3A_324 : vector<1x16xf32> to vector<16xf32>
        %swap3A_326 = vector.shape_cast %add3A_321 : vector<16xf32> to vector<1x16xf32>
        tpu.vector_store %arg15[%swap3A_322, %swap3A_323], %swap3A_326 {strides = array<i32>} : memref<200x128xf32, #tpu.memory_space<vmem>>, vector<1x16xf32>,
        %mul3A_327 = vector.broadcast %squeeze3A_286 : f32 to vector<16xf32>
        %mul3A_328 = arith.mulf %mul3A_327, %get3A_17 : vector<16xf32>
        %add3A_329 = arith.addf %mul3A_328, %get3A_94 : vector<16xf32>
        %swap3A_330 = arith.index_cast %add3A_271 : i32 to index
        %swap3A_331 = arith.constant 80 : index
        %swap3A_332 = tpu.vector_load %arg15[%swap3A_330, %swap3A_331] {strides = array<i32>} : memref<200x128xf32, #tpu.memory_space<vmem>>, vector<1x16xf32>,
        %swap3A_333 = vector.shape_cast %swap3A_332 : vector<1x16xf32> to vector<16xf32>
        %swap3A_334 = vector.shape_cast %add3A_329 : vector<16xf32> to vector<1x16xf32>
        tpu.vector_store %arg15[%swap3A_330, %swap3A_331], %swap3A_334 {strides = array<i32>} : memref<200x128xf32, #tpu.memory_space<vmem>>, vector<1x16xf32>,
        %get3A_335 = arith.index_cast %add3A_271 : i32 to index
        %get3A_336 = arith.constant 0 : index
        %get3A_337 = tpu.vector_load %arg14[%get3A_335, %get3A_336] {strides = array<i32>} : memref<200x32xf32, #tpu.memory_space<vmem>>, vector<1x16xf32>,
        %get3A_338 = vector.shape_cast %get3A_337 : vector<1x16xf32> to vector<16xf32>
        %add3A_339 = arith.addf %get3A_338, %get3A_98 : vector<16xf32>
        %swap3A_340 = arith.index_cast %add3A_271 : i32 to index
        %swap3A_341 = arith.constant 96 : index
        %swap3A_342 = tpu.vector_load %arg15[%swap3A_340, %swap3A_341] {strides = array<i32>} : memref<200x128xf32, #tpu.memory_space<vmem>>, vector<1x16xf32>,
        %swap3A_343 = vector.shape_cast %swap3A_342 : vector<1x16xf32> to vector<16xf32>
        %swap3A_344 = vector.shape_cast %add3A_339 : vector<16xf32> to vector<1x16xf32>
        tpu.vector_store %arg15[%swap3A_340, %swap3A_341], %swap3A_344 {strides = array<i32>} : memref<200x128xf32, #tpu.memory_space<vmem>>, vector<1x16xf32>,
        %get3A_345 = arith.index_cast %add3A_271 : i32 to index
        %get3A_346 = arith.constant 16 : index
        %get3A_347 = tpu.vector_load %arg14[%get3A_345, %get3A_346] {strides = array<i32>} : memref<200x32xf32, #tpu.memory_space<vmem>>, vector<1x16xf32>,
        %get3A_348 = vector.shape_cast %get3A_347 : vector<1x16xf32> to vector<16xf32>
        %add3A_349 = arith.addf %get3A_348, %get3A_102 : vector<16xf32>
        %swap3A_350 = arith.index_cast %add3A_271 : i32 to index
        %swap3A_351 = arith.constant 112 : index
        %swap3A_352 = tpu.vector_load %arg15[%swap3A_350, %swap3A_351] {strides = array<i32>} : memref<200x128xf32, #tpu.memory_space<vmem>>, vector<1x16xf32>,
        %swap3A_353 = vector.shape_cast %swap3A_352 : vector<1x16xf32> to vector<16xf32>
        %swap3A_354 = vector.shape_cast %add3A_349 : vector<16xf32> to vector<1x16xf32>
        tpu.vector_store %arg15[%swap3A_350, %swap3A_351], %swap3A_354 {strides = array<i32>} : memref<200x128xf32, #tpu.memory_space<vmem>>, vector<1x16xf32>,
        %add3A_355 = arith.constant 150 : i32
        %add3A_356 = arith.addi %add3A_355, %scan3A_69 : i32
        %get3A_357 = arith.index_cast %add3A_356 : i32 to index
        %get3A_358 = tpu.vector_load %arg10[%get3A_357] {strides = array<i32>} : memref<216xf32, #tpu.memory_space<vmem>>, vector<16xf32>,
        %get3A_359 = vector.shape_cast %get3A_358 : vector<16xf32> to vector<16xf32>
        %slice3A_360 = vector.extract_strided_slice %get3A_359 {offsets = [0], sizes = [1], strides = [1]} : vector<16xf32> to vector<1xf32>
        %squeeze3A_361 = vector.extract %slice3A_360[0] : f32 from vector<1xf32>
        %get3A_362 = arith.index_cast %add3A_356 : i32 to index
        %get3A_363 = tpu.vector_load %arg11[%get3A_362] {strides = array<i32>} : memref<216xf32, #tpu.memory_space<vmem>>, vector<16xf32>,
        %get3A_364 = vector.shape_cast %get3A_363 : vector<16xf32> to vector<16xf32>
        %slice3A_365 = vector.extract_strided_slice %get3A_364 {offsets = [0], sizes = [1], strides = [1]} : vector<16xf32> to vector<1xf32>
        %squeeze3A_366 = vector.extract %slice3A_365[0] : f32 from vector<1xf32>
        %get3A_367 = arith.index_cast %add3A_356 : i32 to index
        %get3A_368 = tpu.vector_load %arg12[%get3A_367] {strides = array<i32>} : memref<216xf32, #tpu.memory_space<vmem>>, vector<16xf32>,
        %get3A_369 = vector.shape_cast %get3A_368 : vector<16xf32> to vector<16xf32>
        %slice3A_370 = vector.extract_strided_slice %get3A_369 {offsets = [0], sizes = [1], strides = [1]} : vector<16xf32> to vector<1xf32>
        %squeeze3A_371 = vector.extract %slice3A_370[0] : f32 from vector<1xf32>
        %mul3A_372 = vector.broadcast %squeeze3A_361 : f32 to vector<16xf32>
        %mul3A_373 = arith.mulf %mul3A_372, %get3A_2 : vector<16xf32>
        %add3A_374 = arith.addf %mul3A_373, %get3A_74 : vector<16xf32>
        %swap3A_375 = arith.index_cast %add3A_356 : i32 to index
        %swap3A_376 = arith.constant 0 : index
        %swap3A_377 = tpu.vector_load %arg15[%swap3A_375, %swap3A_376] {strides = array<i32>} : memref<200x128xf32, #tpu.memory_space<vmem>>, vector<1x16xf32>,
        %swap3A_378 = vector.shape_cast %swap3A_377 : vector<1x16xf32> to vector<16xf32>
        %swap3A_379 = vector.shape_cast %add3A_374 : vector<16xf32> to vector<1x16xf32>
        tpu.vector_store %arg15[%swap3A_375, %swap3A_376], %swap3A_379 {strides = array<i32>} : memref<200x128xf32, #tpu.memory_space<vmem>>, vector<1x16xf32>,
        %mul3A_380 = vector.broadcast %squeeze3A_361 : f32 to vector<16xf32>
        %mul3A_381 = arith.mulf %mul3A_380, %get3A_5 : vector<16xf32>
        %add3A_382 = arith.addf %mul3A_381, %get3A_78 : vector<16xf32>
        %swap3A_383 = arith.index_cast %add3A_356 : i32 to index
        %swap3A_384 = arith.constant 16 : index
        %swap3A_385 = tpu.vector_load %arg15[%swap3A_383, %swap3A_384] {strides = array<i32>} : memref<200x128xf32, #tpu.memory_space<vmem>>, vector<1x16xf32>,
        %swap3A_386 = vector.shape_cast %swap3A_385 : vector<1x16xf32> to vector<16xf32>
        %swap3A_387 = vector.shape_cast %add3A_382 : vector<16xf32> to vector<1x16xf32>
        tpu.vector_store %arg15[%swap3A_383, %swap3A_384], %swap3A_387 {strides = array<i32>} : memref<200x128xf32, #tpu.memory_space<vmem>>, vector<1x16xf32>,
        %mul3A_388 = vector.broadcast %squeeze3A_366 : f32 to vector<16xf32>
        %mul3A_389 = arith.mulf %mul3A_388, %get3A_8 : vector<16xf32>
        %add3A_390 = arith.addf %mul3A_389, %get3A_82 : vector<16xf32>
        %swap3A_391 = arith.index_cast %add3A_356 : i32 to index
        %swap3A_392 = arith.constant 32 : index
        %swap3A_393 = tpu.vector_load %arg15[%swap3A_391, %swap3A_392] {strides = array<i32>} : memref<200x128xf32, #tpu.memory_space<vmem>>, vector<1x16xf32>,
        %swap3A_394 = vector.shape_cast %swap3A_393 : vector<1x16xf32> to vector<16xf32>
        %swap3A_395 = vector.shape_cast %add3A_390 : vector<16xf32> to vector<1x16xf32>
        tpu.vector_store %arg15[%swap3A_391, %swap3A_392], %swap3A_395 {strides = array<i32>} : memref<200x128xf32, #tpu.memory_space<vmem>>, vector<1x16xf32>,
        %mul3A_396 = vector.broadcast %squeeze3A_366 : f32 to vector<16xf32>
        %mul3A_397 = arith.mulf %mul3A_396, %get3A_11 : vector<16xf32>
        %add3A_398 = arith.addf %mul3A_397, %get3A_86 : vector<16xf32>
        %swap3A_399 = arith.index_cast %add3A_356 : i32 to index
        %swap3A_400 = arith.constant 48 : index
        %swap3A_401 = tpu.vector_load %arg15[%swap3A_399, %swap3A_400] {strides = array<i32>} : memref<200x128xf32, #tpu.memory_space<vmem>>, vector<1x16xf32>,
        %swap3A_402 = vector.shape_cast %swap3A_401 : vector<1x16xf32> to vector<16xf32>
        %swap3A_403 = vector.shape_cast %add3A_398 : vector<16xf32> to vector<1x16xf32>
        tpu.vector_store %arg15[%swap3A_399, %swap3A_400], %swap3A_403 {strides = array<i32>} : memref<200x128xf32, #tpu.memory_space<vmem>>, vector<1x16xf32>,
        %mul3A_404 = vector.broadcast %squeeze3A_371 : f32 to vector<16xf32>
        %mul3A_405 = arith.mulf %mul3A_404, %get3A_14 : vector<16xf32>
        %add3A_406 = arith.addf %mul3A_405, %get3A_90 : vector<16xf32>
        %swap3A_407 = arith.index_cast %add3A_356 : i32 to index
        %swap3A_408 = arith.constant 64 : index
        %swap3A_409 = tpu.vector_load %arg15[%swap3A_407, %swap3A_408] {strides = array<i32>} : memref<200x128xf32, #tpu.memory_space<vmem>>, vector<1x16xf32>,
        %swap3A_410 = vector.shape_cast %swap3A_409 : vector<1x16xf32> to vector<16xf32>
        %swap3A_411 = vector.shape_cast %add3A_406 : vector<16xf32> to vector<1x16xf32>
        tpu.vector_store %arg15[%swap3A_407, %swap3A_408], %swap3A_411 {strides = array<i32>} : memref<200x128xf32, #tpu.memory_space<vmem>>, vector<1x16xf32>,
        %mul3A_412 = vector.broadcast %squeeze3A_371 : f32 to vector<16xf32>
        %mul3A_413 = arith.mulf %mul3A_412, %get3A_17 : vector<16xf32>
        %add3A_414 = arith.addf %mul3A_413, %get3A_94 : vector<16xf32>
        %swap3A_415 = arith.index_cast %add3A_356 : i32 to index
        %swap3A_416 = arith.constant 80 : index
        %swap3A_417 = tpu.vector_load %arg15[%swap3A_415, %swap3A_416] {strides = array<i32>} : memref<200x128xf32, #tpu.memory_space<vmem>>, vector<1x16xf32>,
        %swap3A_418 = vector.shape_cast %swap3A_417 : vector<1x16xf32> to vector<16xf32>
        %swap3A_419 = vector.shape_cast %add3A_414 : vector<16xf32> to vector<1x16xf32>
        tpu.vector_store %arg15[%swap3A_415, %swap3A_416], %swap3A_419 {strides = array<i32>} : memref<200x128xf32, #tpu.memory_space<vmem>>, vector<1x16xf32>,
        %get3A_420 = arith.index_cast %add3A_356 : i32 to index
        %get3A_421 = arith.constant 0 : index
        %get3A_422 = tpu.vector_load %arg14[%get3A_420, %get3A_421] {strides = array<i32>} : memref<200x32xf32, #tpu.memory_space<vmem>>, vector<1x16xf32>,
        %get3A_423 = vector.shape_cast %get3A_422 : vector<1x16xf32> to vector<16xf32>
        %add3A_424 = arith.addf %get3A_423, %get3A_98 : vector<16xf32>
        %swap3A_425 = arith.index_cast %add3A_356 : i32 to index
        %swap3A_426 = arith.constant 96 : index
        %swap3A_427 = tpu.vector_load %arg15[%swap3A_425, %swap3A_426] {strides = array<i32>} : memref<200x128xf32, #tpu.memory_space<vmem>>, vector<1x16xf32>,
        %swap3A_428 = vector.shape_cast %swap3A_427 : vector<1x16xf32> to vector<16xf32>
        %swap3A_429 = vector.shape_cast %add3A_424 : vector<16xf32> to vector<1x16xf32>
        tpu.vector_store %arg15[%swap3A_425, %swap3A_426], %swap3A_429 {strides = array<i32>} : memref<200x128xf32, #tpu.memory_space<vmem>>, vector<1x16xf32>,
        %get3A_430 = arith.index_cast %add3A_356 : i32 to index
        %get3A_431 = arith.constant 16 : index
        %get3A_432 = tpu.vector_load %arg14[%get3A_430, %get3A_431] {strides = array<i32>} : memref<200x32xf32, #tpu.memory_space<vmem>>, vector<1x16xf32>,
        %get3A_433 = vector.shape_cast %get3A_432 : vector<1x16xf32> to vector<16xf32>
        %add3A_434 = arith.addf %get3A_433, %get3A_102 : vector<16xf32>
        %swap3A_435 = arith.index_cast %add3A_356 : i32 to index
        %swap3A_436 = arith.constant 112 : index
        %swap3A_437 = tpu.vector_load %arg15[%swap3A_435, %swap3A_436] {strides = array<i32>} : memref<200x128xf32, #tpu.memory_space<vmem>>, vector<1x16xf32>,
        %swap3A_438 = vector.shape_cast %swap3A_437 : vector<1x16xf32> to vector<16xf32>
        %swap3A_439 = vector.shape_cast %add3A_434 : vector<16xf32> to vector<1x16xf32>
        tpu.vector_store %arg15[%swap3A_435, %swap3A_436], %swap3A_439 {strides = array<i32>} : memref<200x128xf32, #tpu.memory_space<vmem>>, vector<1x16xf32>,
        %scan3A_440 = arith.constant 0 : i32
        scf.yield %scan3A_440 : i32
      }
      %scan3A_67 = arith.constant 50 : i32
      "tpu.region"() ({
        %run_scoped3A = tpu.sem_alloc : memref<!tpu.dma_semaphore, #tpu.memory_space<semaphore_mem>>
        %dma_start3A_69 = arith.constant 0 : i32
        %dma_start3A_70 = tpu.memref_slice %arg9[%add3A_30, %dma_start3A_69] : memref<204800x128xf32, #tpu.memory_space<hbm>> -> memref<200x128xf32, #tpu.memory_space<hbm>>
        %dma_start3A_71 = arith.constant 0 : i32
        %dma_start3A_72 = tpu.memref_slice %arg9[%add3A_30, %dma_start3A_71] : memref<204800x128xf32, #tpu.memory_space<hbm>> -> memref<200x128xf32, #tpu.memory_space<hbm>>
        tpu.enqueue_dma source(%arg15 : memref<200x128xf32, #tpu.memory_space<vmem>>) target(%dma_start3A_72 : memref<200x128xf32, #tpu.memory_space<hbm>>) target_semaphore(%run_scoped3A : memref<!tpu.dma_semaphore, #tpu.memory_space<semaphore_mem>>)
        %dma_wait3A_73 = arith.constant 0 : i32
        %dma_wait3A_74 = tpu.memref_slice %arg9[%add3A_30, %dma_wait3A_73] : memref<204800x128xf32, #tpu.memory_space<hbm>> -> memref<200x128xf32, #tpu.memory_space<hbm>>
        %dma_wait3A_75 = arith.constant 0 : i32
        %dma_wait3A_76 = tpu.memref_slice %arg9[%add3A_30, %dma_wait3A_75] : memref<204800x128xf32, #tpu.memory_space<hbm>> -> memref<200x128xf32, #tpu.memory_space<hbm>>
        tpu.wait_dma2 semaphore(%run_scoped3A : memref<!tpu.dma_semaphore, #tpu.memory_space<semaphore_mem>>) src(%arg15 : memref<200x128xf32, #tpu.memory_space<vmem>>) dst(%dma_wait3A_76 : memref<200x128xf32, #tpu.memory_space<hbm>>)
        tpu.yield
      }) : () -> ()
      %scan3A_68 = arith.constant 0 : i32
      scf.yield %scan3A_68 : i32
    }
    %scan3A_23 = arith.constant 32 : i32
    return
  }
}

</mosaic_0001>

<sc_bundles>
// kernel: kernel.3.cloned.1.call-start
scs
__scs_entry_jumppad:
0x0: {  	(pc) =	sbr.rel $0x88, $3  }
0x1: {  	(tag) =	ssettag $0x0;
	lr =	simm.s32 $0x1  }
0x2: {  	[smem:$0x3F99] =	sst lr;
	_ =	strace $0xD0000000  }
0x3: {  	_ = 	snop  }
0x4: {  	_ = 	snop  }
0x5: {  	_ = 	snop  }
0x6: {  	_ = 	snop  }
0x7: {  	_ = 	snop  }
__scs_overlays_trampoline_lowered:
0x8: {  	[smem:$0x3FA8] =	sst s0  }
0x9: {  	[smem:$0x3FA9] =	sst s1  }
0xa: {  	[smem:$0x3FAA] =	sst s2  }
0xb: {  	[smem:$0x3FAB] =	sst s3  }
0xc: {  	[smem:$0x3FAC] =	sst s4  }
0xd: {  	[smem:$0x3FAD] =	sst s5  }
0xe: {  	[smem:$0x3FAE] =	sst s6  }
0xf: {  	[smem:$0x3FAF] =	sst s7  }
0x10: {  	[smem:$0x3FB0] =	sst s8  }
0x11: {  	[smem:$0x3FB1] =	sst s9;
	s0 =	simm.s32 @!p0 $0x0  }
0x12: {  	s1 =	sld [smem:$0x3F97];
	s0 =	simm.s32 @p0 $0x1  }
0x13: {  	[smem:$0x3FB2] =	sst s0;
	s0 =	simm.s32 @!p1 $0x0  }
0x14: {  	s2 =	sld [smem:$0x3F96];
	s0 =	simm.s32 @p1 $0x1  }
0x15: {  	[smem:$0x3FB3] =	sst s0;
	s0 =	simm.s32 @!p2 $0x0  }
0x16: {  	s3 =	sld [smem:$0x3FDB];
	s0 =	simm.s32 @p2 $0x1  }
0x17: {  	s4 =	simm.s32 $0x1BF5;
	[smem:$0x3FB5] =	sst s0  }
0x18: {  	s0 =	sld [smem:$0x3F98];
	_ =	swait.ge [sflag:s4], $0x0  }
0x19: {  	s7 =	sld [smem:$0x3F99]  }
0x1a: {  	s8 =	sadd.s32 $0xFFFFE003, lr  }
0x1b: {  	s9 =	sadd.s32 $0xFFFFFEF7, lr;
	s5 =	simm.s32 $0xFFFFFFFF;
	p2 =	slt.u32 s8, $0xFFFFF086  }
0x1c: {  	p1 =	slt.u32 s9, $0xF7A;
	s5 =	simm.s32 @!p2 $0x0  }
0x1d: {  	s5 =	simm.s32 @p1 $0x1;
	p0 =	seq.s32 s7, s2  }
0x1e: {  	s7 =	smul.u32 @!p0 $0xF7A, s2;
	p2 =	seq.s32 @!p0 s5, $0x0  }
0x1f: {  	s9 =	smul.u32 $0xF7A, s1;
	s8 =	simm.s32 @!p0 $0x1BF5;
	p2 =	por !p2, p0  }
0x20: {  	[sflag:s8] =	ssyncset.s32 @!p0 $0xFFFFF086;
	s6 =	sadd.s32 @!p0 s3, s7;
	s7 =	simm.s32 @!p0 $0x108  }
0x21: {  	s3 =	sadd.s32 s3, s9;
	s6 =	sadd.s32 @!p0 $0x88, s6;
	s7 =	simm.s32 @p2 $0x1082  }
0x22: {  	[simem:s7], [sflag:s8] =	dma.local @!p0 [hbm:s6], $0xF7A  }
0x23: {  	s9 =	sor.u32 $0xD0000000, s2;
	s6 =	simm.s32 $0x108;
	_ =	swait.ge @!p0 [sflag:s8], $0x0  }
0x24: {  	s3 =	sadd.s32 $0x88, s3;
	s6 =	simm.s32 @!p1 $0x1082;
	[sflag:s4] =	ssyncset.s32 $0xFFFFF086  }
0x25: {  	[simem:s6], [sflag:s4] =	dma.local [hbm:s3], $0xF7A  }
0x26: {  	[smem:$0x3F99] =	sst s1;
	(tag) =	ssettag s2;
	_ =	strace s9  }
0x27: {  	s1 =	sld [smem:$0x3FA9]  }
0x28: {  	s2 =	sld [smem:$0x3FAA]  }
0x29: {  	s4 =	sld [smem:$0x3FAC]  }
0x2a: {  	p0 =	seq.s32 s5, $0x0;
	s5 =	sld [smem:$0x3FAD]  }
0x2b: {  	s6 =	sld [smem:$0x3FAE]  }
0x2c: {  	s7 =	sld [smem:$0x3FAF]  }
0x2d: {  	s3 =	simm.s32 $0x108;
	s8 =	sld [smem:$0x3FB0]  }
0x2e: {  	s3 =	simm.s32 @!p0 $0x1082;
	s9 =	sld [smem:$0x3FB1]  }
0x2f: {  	lr =	sadd.s32 s0, s3;
	s0 =	sld [smem:$0x3FA8]  }
0x30: {  	s3 =	sld [smem:$0x3FAB]  }
0x31: {  	[smem:$0x3FB4] =	sst s10  }
0x32: {  	s10 =	sld [smem:$0x3FB2];
	_ =	sdelay $0x3  }
0x33: {  	p0 =	seq.s32 s10, $0x1;
	s10 =	sld [smem:$0x3FB4];
	_ =	sdelay $0x3  }
0x34: {  	[smem:$0x3FB4] =	sst s10  }
0x35: {  	s10 =	sld [smem:$0x3FB3];
	_ =	sdelay $0x3  }
0x36: {  	p1 =	seq.s32 s10, $0x1;
	s10 =	sld [smem:$0x3FB4];
	_ =	sdelay $0x3  }
0x37: {  	[smem:$0x3FB4] =	sst s10  }
0x38: {  	s10 =	sld [smem:$0x3FB5]  }
0x39: {  	_ = 	snop;
	(pc) =	sbr.ind lr, $3  }
0x3a: {  	_ = 	snop  }
0x3b: {  	_ = 	snop  }
0x3c: {  	p2 =	seq.s32 s10, $0x1;
	s10 =	sld [smem:$0x3FB4]  }
0x3d: {  	_ =	shalt  }
0x3e: {  	_ =	shalt  }
0x3f: {  	_ =	shalt  }
0x40: {  	_ =	shalt  }
0x41: {  	_ =	shalt  }
0x42: {  	_ =	shalt  }
0x43: {  	_ =	shalt  }
0x44: {  	_ =	shalt  }
0x45: {  	_ =	shalt  }
0x46: {  	_ =	shalt  }
0x47: {  	_ =	shalt  }
0x48: {  	_ =	shalt  }
0x49: {  	_ =	shalt  }
0x4a: {  	_ =	shalt  }
0x4b: {  	_ =	shalt  }
0x4c: {  	_ =	shalt  }
0x4d: {  	_ =	shalt  }
0x4e: {  	_ =	shalt  }
0x4f: {  	_ =	shalt  }
0x50: {  	_ =	shalt  }
0x51: {  	_ =	shalt  }
0x52: {  	_ =	shalt  }
0x53: {  	_ =	shalt  }
0x54: {  	_ =	shalt  }
0x55: {  	_ =	shalt  }
0x56: {  	_ =	shalt  }
0x57: {  	_ =	shalt  }
0x58: {  	_ =	shalt  }
0x59: {  	_ =	shalt  }
0x5a: {  	_ =	shalt  }
0x5b: {  	_ =	shalt  }
0x5c: {  	_ =	shalt  }
0x5d: {  	_ =	shalt  }
0x5e: {  	_ =	shalt  }
0x5f: {  	_ =	shalt  }
0x60: {  	_ =	shalt  }
0x61: {  	_ =	shalt  }
0x62: {  	_ =	shalt  }
0x63: {  	_ =	shalt  }
0x64: {  	_ =	shalt  }
0x65: {  	_ =	shalt  }
0x66: {  	_ =	shalt  }
0x67: {  	_ =	shalt  }
0x68: {  	_ =	shalt  }
0x69: {  	_ =	shalt  }
0x6a: {  	_ =	shalt  }
0x6b: {  	_ =	shalt  }
0x6c: {  	_ =	shalt  }
0x6d: {  	_ =	shalt  }
0x6e: {  	_ =	shalt  }
0x6f: {  	_ =	shalt  }
0x70: {  	_ =	shalt  }
0x71: {  	_ =	shalt  }
0x72: {  	_ =	shalt  }
0x73: {  	_ =	shalt  }
0x74: {  	_ =	shalt  }
0x75: {  	_ =	shalt  }
0x76: {  	_ =	shalt  }
0x77: {  	_ =	shalt  }
0x78: {  	_ =	shalt  }
0x79: {  	_ =	shalt  }
0x7a: {  	_ =	shalt  }
0x7b: {  	_ =	shalt  }
0x7c: {  	_ =	shalt  }
0x7d: {  	_ =	shalt  }
0x7e: {  	_ =	shalt  }
0x7f: {  	_ =	shalt  }
0x80: {  	_ =	shalt  }
0x81: {  	_ =	shalt  }
0x82: {  	_ =	shalt  }
0x83: {  	_ =	shalt  }
0x84: {  	_ =	shalt  }
0x85: {  	_ =	shalt  }
0x86: {  	_ =	shalt  }
0x87: {  	_ =	shalt  }
.Lfunc_end0:
.L_simem_size_0:
called_computation.1_lowered:
.L_overlay_start_0:
0x88: {  	s2 =	sld [smem:$0x3FD9]  }
0x89: {  	s3 =	sld [smem:$0x3FFE];
	_ =	sdelay $0x1  }
0x8a: {  	s1 =	srdreg.scid  }
0x8b: {  	s0 =	sand.u32 $0x1, s1  }
0x8c: {  	s17 =	sshll.u32 s0, $0xA;
	s2 =	sadd.s32 s3, s2  }
0x8d: {  	s2 =	sadd.s32 s2, s17  }
0x8e: {  	[smem:$0x3FC0] =	sst s2  }
0x8f: {  	_ = 	snop  }
0x90: {  	s2 =	sld [smem:$0x3FD0];
	(tm) =	ssettm $0x1  }
0x91: {  	s18 =	sld [smem:$0x3FFB];
	_ =	sdelay $0x3  }
0x92: {  	_ =	strace s18  }
0x93: {  	s3 =	sld [smem:$0x3FFC];
	_ =	sdelay $0x3  }
0x94: {  	_ =	strace s3  }
0x95: {  	s3 =	sld [smem:$0x3FFD];
	_ =	sdelay $0x3  }
0x96: {  	_ =	strace s3  }
0x97: {  	_ =	strace $0x8FFFFFFF  }
0x98: {  	s19 =	sld [smem:$0x3FDB];
	_ =	sdelay $0x1  }
0x99: {  	s4 =	simm.s32 $_scs_section_size  }
0x9a: {  	s5 =	simm.s32 $_size__tile_overlayer_lowered;
	s6 =	simm.s32 $_tile_overlayer_lowered  }
0x9b: {  	s22 =	simm.s32 $0x1BFF;
	s21 =	sshll.u32 s6, $0x1;
	s3 =	sadd.s32 s4, s19  }
0x9c: {  	s7 =	simm.s32 $0x0;
	s20 =	sshll.u32 s5, $0x1;
	s5 =	sadd.s32 s21, s3  }
0x9d: {  	[timem:s7], [sflag:s22] =	dma.local [hbm:s5], s20  }
0x9e: {  	_ =	swait.ge [sflag:s22], s20  }
0x9f: {  	s4 =	ssub.s32 $0x0, s20;
	[sflag:s22] =	ssyncset.done $0x0  }
0xa0: {  	[sflag:s22] =	ssyncadd.s32 s4;
	_ =	sdelay $0x1  }
0xa1: {  	s23 =	simm.s32 $0x1B8B  }
0xa2: {  	_ =	swait.ge [sflag:s23], $0x1  }
0xa3: {  	[sflag:s23] =	ssyncset.done $0x0  }
0xa4: {  	s25 =	simm.s32 $0x1B8E;
	s24 =	sld [smem:$0x3FFE];
	[sflag:s23] =	ssyncadd.s32 $0xFFFFFFFF  }
0xa5: {  	s26 =	simm.s32 $execute0_lowered;
	[smem:$0x3FD2] =	sst s25  }
0xa6: {  	s5 =	sshll.u32 s26, $0x1;
	_ =	strace $0x80000046;
	[dreg:$0x1] =	wrdreg $0xFFFFFFFF  }
0xa7: {  	s28 =	simm.s32 $_size_execute0_lowered;
	s3 =	sadd.s32 s3, s5;
	[dreg:$0x0] =	wrdreg $0x0  }
0xa8: {  	s5 =	sshll.u32 s28, $0x1;
	[dreg:$0x2] =	wrdreg s3  }
0xa9: {  	[dreg:$0x3] =	wrdreg s5  }
0xaa: {  	[dreg:$0x4] =	wrdreg $0xC0  }
0xab: {  	_ =	task [dreg:s7], $0x5FFFF  }
0xac: {  	[dreg:$0x1] =	wrdreg $0xFFFFFFFF  }
0xad: {  	[dreg:$0x0] =	wrdreg $0x60  }
0xae: {  	[dreg:$0x2] =	wrdreg s24  }
0xaf: {  	[dreg:$0x3] =	wrdreg s2  }
0xb0: {  	[dreg:$0x4] =	wrdreg $0x9  }
0xb1: {  	_ =	task.clear_ibuf [dreg:s7], $0x5FFFF;
	_ =	strace $0x90000046  }
0xb2: {  	s29 =	simm.s32 $0x9;
	_ =	strace $0x80000048  }
0xb3: {  	_ =	swait.ge [sflag:s29], $0x1  }
0xb4: {  	[sflag:s29] =	ssyncadd.s32 $0xFFFFFFFF  }
0xb5: {  	_ =	strace $0x90000048  }
0xb6: {  	_ =	sfence  }
0xb7: {  	s30 =	sld [smem:$0x0];
	_ =	sdelay $0x2  }
0xb8: {  	s31 =	sshll.u32 s1, $0xD;
	s1 =	sshrl.u32 s1, $0x2  }
0xb9: {  	s3 =	sand.u32 $0x4000, s31;
	s1 =	sadd.s32 s1, s30  }
0xba: {  	s0 =	sor.u32 s3, s0;
	s1 =	sshll.u32 s1, $0x11  }
0xbb: {  	s0 =	sor.u32 s1, s0  }
0xbc: {  	s0 =	sadd.s32 $0x8F2B, s0  }
0xbd: {  	[sflag:s0] =	ssyncadd.remote.s32 $0x1  }
0xbe: {  	_ =	sfence.sel $0xFFFF  }
0xbf: {  	[dreg:$0x0] =	wrdreg $0xFFFFFFFF;
	(pc) =	sbr.abs _section_cstart, $3  }
0xc0: {  	[dreg:$0x1] =	wrdreg $0xFFFFFFFF  }
0xc1: {  	_ =	task.clear_ibuf [dreg:s7], $0x2FFFF;
	_ =	strace $0x9FFFFFFF  }
0xc2: {  	(tm) =	ssettm $0x7FFFFFFF  }
0xc3: {  	_ =	shalt  }
tec
execute0_lowered:
.L_overlay_start_1:
0x0: {  	(tag) =	ssettag $0x1  }
0x1: {  	s0 =	rddreg [dreg:$0x0];
	s2 =	simm.s32 $0x0;
	s4 =	srdreg.scid  }
0x2: {  	s1 =	stileid.u32;
	s14 =	simm.s32 $0x2;
	s16 =	simm.s32 $0xD8  }
0x3: {  	s17 =	simm.s32 $0x1B0;
	s18 =	simm.s32 $0x288;
	s19 =	simm.s32 $0x80  }
0x4: {  	s20 =	simm.s32 $0x350;
	s21 =	simm.s32 $0x48;
	s22 =	simm.s32 $0x308  }
0x5: {  	s23 =	simm.s32 $0x1350;
	s24 =	simm.s32 $0x1;
	s25 =	simm.s32 $0x1C50  }
0x6: {  	[smem:$0x7FF] =	sst s2;
	s3 =	sadd.s32 $0x14400, s0;
	s5 =	sadd.s32 $0xE000, s0  }
0x7: {  	s6 =	sadd.s32 $0x7C00, s0;
	s7 =	sadd.s32 $0x1800, s0;
	s4 =	sand.u32 $0x1, s4  }
0x8: {  	s8 =	sadd.s32 $0xF5CC00, s0;
	s10 =	sshll.u32 s1, $0x1;
	s9 =	ssub.s32 $0x2, s4  }
0x9: {  	s30 =	sadd.s32 $0x1A800, s0;
	s0 =	sadd.s32 $0x1AC00, s0;
	s11 =	sshrl.u32 s9, $0x1  }
0xa: {  	_ =	strace $0x80000047;
	[dreg:$0x3] =	wrdreg s30;
	s31 =	ssub.s32 s9, s11  }
0xb: {  	s4 =	sor.u32 s4, s10;
	[dreg:$0x4] =	wrdreg s0;
	s0 =	smax.u32 s31, $0x1  }
0xc: {  	s1 =	simm.s32 $0x0;
	s11 =	smul.u32 $0x1900, s4;
	[dreg:$0x5] =	wrdreg s0  }
.LBB2_1:
0xd: {  	[dreg:$0x6] =	wrdreg s1  }
0xe: {  	s0 =	rddreg [dreg:$0x3];
	s29 =	simm.s32 $0x8050  }
0xf: {  	[tilespmem:s29], [sflag:$0x2] =	stream.linear.gather [hbm4b:s0+s2], $0x1900, $0x38;
	[tilespmem:$0x99D0] =	vst v63  }
0x10: {  	_ =	swait.ge [sflag:s14], $0x1900  }
0x11: {  	[sflag:s14] =	ssyncset.done $0x0  }
0x12: {  	s31 =	simm.s32 $0x9950;
	s30 =	rddreg [dreg:$0x4];
	[sflag:s14] =	ssyncadd.s32 $0xFFFFE700  }
0x13: {  	[tilespmem:s31], [sflag:$0x2] =	stream.linear.gather [hbm4b:s30+s2], $0x80, $0x38;
	[tilespmem:$0x99D0] =	vst v63  }
0x14: {  	_ =	swait.ge [sflag:s14], $0x80  }
0x15: {  	[sflag:s14] =	ssyncset.done $0x0  }
0x16: {  	[sflag:s14] =	ssyncadd.s32 $0xFFFFFF80  }
0x17: {  	v0 =	vld [tilespmem:$0x9950]  }
0x18: {  	v1 =	vld [tilespmem:$0x9960]  }
0x19: {  	v2 =	vld [tilespmem:$0x9970]  }
0x1a: {  	v3 =	vld [tilespmem:$0x9980]  }
0x1b: {  	v4 =	vld [tilespmem:$0x9990]  }
0x1c: {  	s28 =	simm.s32 $0x0;
	v5 =	vld [tilespmem:$0x99A0]  }
.LBB2_2:
0x1d: {  	s0 =	smul.u32 $0xC8, s28;
	_ =	sdelay $0x1  }
0x1e: {  	s29 =	sadd.s32 s11, s0  }
0x1f: {  	s0 =	sshrl.u32 s29, $0x3  }
0x20: {  	s9 =	simm.s32 $0x0;
	s4 =	sadd.s32 s3, s0  }
0x21: {  	[tilespmem:s9], [sflag:$0x2] =	stream.linear.gather [hbm4b:s4+s9], $0xC8, $0x38;
	[tilespmem:$0x99D0] =	vst v63  }
0x22: {  	_ =	swait.ge [sflag:s14], $0xC8  }
0x23: {  	[sflag:s14] =	ssyncset.done $0x0  }
0x24: {  	s15 =	sadd.s32 s5, s0;
	[sflag:s14] =	ssyncadd.s32 $0xFFFFFF38  }
0x25: {  	[tilespmem:s16], [sflag:$0x2] =	stream.linear.gather [hbm4b:s15+s9], $0xC8, $0x38;
	[tilespmem:$0x99D0] =	vst v63  }
0x26: {  	_ =	swait.ge [sflag:s14], $0xC8  }
0x27: {  	[sflag:s14] =	ssyncset.done $0x0  }
0x28: {  	s26 =	sadd.s32 s6, s0;
	[sflag:s14] =	ssyncadd.s32 $0xFFFFFF38  }
0x29: {  	[tilespmem:s17], [sflag:$0x2] =	stream.linear.gather [hbm4b:s26+s9], $0xC8, $0x38;
	[tilespmem:$0x99D0] =	vst v63  }
0x2a: {  	_ =	swait.ge [sflag:s14], $0xC8  }
0x2b: {  	[sflag:s14] =	ssyncset.done $0x0  }
0x2c: {  	s0 =	sadd.s32 s7, s0;
	[sflag:s14] =	ssyncadd.s32 $0xFFFFFF38  }
0x2d: {  	[tilespmem:s18], [sflag:$0x2] =	stream.linear.gather [hbm4b:s0+s9], $0xC8, $0x38;
	[tilespmem:$0x99D0] =	vst v63  }
0x2e: {  	_ =	swait.ge [sflag:s14], $0xC8  }
0x2f: {  	[sflag:s14] =	ssyncset.done $0x0  }
0x30: {  	[sflag:s14] =	ssyncadd.s32 $0xFFFFFF38  }
0x31: {  	[tilespmem:s20], [sflag:$0x1] =	stream.indirect.gather [hbm4b:s8+s19], $0x20, s18, s19, $0xb8;
	[tilespmem:$0x99D0] =	vst v63  }
0x32: {  	_ = 	snop  }
0x33: {  	[tilespmem:s23], [sflag:$0x1] =	stream.indirect.gather [hbm4b:s8+s21], $0x20, s22, s21, $0xb8;
	[tilespmem:$0x99D0] =	vst v63  }
0x34: {  	_ =	swait.ge [sflag:s24], $0x1000  }
0x35: {  	[sflag:s24] =	ssyncset.done $0x0  }
0x36: {  	[sflag:s24] =	ssyncadd.s32 $0xFFFFF000  }
0x37: {  	_ =	swait.ge [sflag:s24], $0x900  }
0x38: {  	[sflag:s24] =	ssyncset.done $0x0  }
0x39: {  	s31 =	simm.s32 $0x214;
	[sflag:s24] =	ssyncadd.s32 $0xFFFFF700  }
0x3a: {  	s0 =	simm.s32 $0x13C;
	v6 =	vld.msk [tilespmem:s31+$0xFFFFFF9C ss:$0x0], $0xffff  }
0x3b: {  	s13 =	simm.s32 $0x64;
	v12 =	vld.msk [tilespmem:s0+$0xFFFFFF9C ss:$0x0], $0xffff  }
0x3c: {  	s30 =	simm.s32 $0x0;
	v14 =	vld.msk [tilespmem:s13+$0xFFFFFF9C ss:$0x0], $0xffff  }
0x3d: {  	v9 =	vld [tilespmem:s30+$0x8090]  }
0x3e: {  	v10 =	vld [tilespmem:s30+$0x80A0]  }
0x3f: {  	v8 =	vld [tilespmem:s30+$0x8060]  }
0x40: {  	v13 =	vld [tilespmem:s30+$0x8050];
	v15 =	vmul.f32 v6, v4  }
0x41: {  	v7 =	vld [tilespmem:s30+$0x8080];
	v16 =	vmul.f32 v6, v5  }
0x42: {  	v11 =	vld [tilespmem:s30+$0x8070];
	v17 =	vmul.f32 v14, v1;
	v15 =	vadd.f32 v15, v9  }
0x43: {  	v14 =	vmul.f32 v14, v0;
	v16 =	vadd.f32 v16, v10  }
0x44: {  	v18 =	vmul.f32 v12, v2;
	v12 =	vmul.f32 v12, v3;
	v17 =	vadd.f32 v17, v8;
	[tilespmem:s30+$0x1C90] =	vst v15  }
0x45: {  	v14 =	vadd.f32 v14, v13;
	[tilespmem:s30+$0x1CA0] =	vst v16  }
0x46: {  	v12 =	vadd.f32 v12, v7;
	[tilespmem:s30+$0x1C60] =	vst v17  }
0x47: {  	v15 =	vadd.f32 v18, v11;
	[tilespmem:s30+$0x1C50] =	vst v14  }
0x48: {  	[tilespmem:s30+$0x1C80] =	vst v12  }
0x49: {  	s4 =	simm.s32 $0xFD0;
	v6 =	vld [tilespmem:s30+$0x80B0];
	[tilespmem:s30+$0x1C70] =	vst v15  }
0x4a: {  	v12 =	vld [tilespmem:s4+$0xFFFFF380];
	_ =	sdelay $0x4  }
0x4b: {  	v14 =	vadd.f32 v12, v6;
	_ =	sdelay $0x1  }
0x4c: {  	v12 =	vld [tilespmem:s30+$0x80C0];
	[tilespmem:s30+$0x1CB0] =	vst v14  }
0x4d: {  	v14 =	vld [tilespmem:s4+$0xFFFFF390];
	_ =	sdelay $0x4  }
0x4e: {  	v14 =	vadd.f32 v14, v12;
	_ =	sdelay $0x1  }
0x4f: {  	[tilespmem:s30+$0x1CC0] =	vst v14  }
0x50: {  	v14 =	vld.msk [tilespmem:s13+$0xFFFFFFCE ss:$0x0], $0xffff  }
0x51: {  	v15 =	vld.msk [tilespmem:s0+$0xFFFFFFCE ss:$0x0], $0xffff  }
0x52: {  	v16 =	vld.msk [tilespmem:s31+$0xFFFFFFCE ss:$0x0], $0xffff;
	_ =	sdelay $0x2  }
0x53: {  	v57 =	vmul.f32 v14, v0  }
0x54: {  	v58 =	vmul.f32 v15, v3  }
0x55: {  	v19 =	vmul.f32 v16, v4;
	v17 =	vadd.f32 v57, v13  }
0x56: {  	v15 =	vmul.f32 v15, v2;
	v18 =	vadd.f32 v58, v7  }
0x57: {  	v14 =	vmul.f32 v14, v1;
	v59 =	vadd.f32 v19, v9;
	[tilespmem:s30+$0x3550] =	vst v17  }
0x58: {  	v16 =	vmul.f32 v16, v5;
	v15 =	vadd.f32 v15, v11;
	[tilespmem:s30+$0x3580] =	vst v18  }
0x59: {  	v14 =	vadd.f32 v14, v8;
	[tilespmem:s30+$0x3590] =	vst v59  }
0x5a: {  	v16 =	vadd.f32 v16, v10;
	[tilespmem:s30+$0x3570] =	vst v15  }
0x5b: {  	[tilespmem:s30+$0x3560] =	vst v14  }
0x5c: {  	[tilespmem:s30+$0x35A0] =	vst v16  }
0x5d: {  	v14 =	vld [tilespmem:s4+$0xFFFFF9C0];
	_ =	sdelay $0x4  }
0x5e: {  	v14 =	vadd.f32 v14, v6;
	_ =	sdelay $0x1  }
0x5f: {  	[tilespmem:s30+$0x35B0] =	vst v14  }
0x60: {  	v14 =	vld [tilespmem:s4+$0xFFFFF9D0];
	_ =	sdelay $0x4  }
0x61: {  	v14 =	vadd.f32 v14, v12;
	_ =	sdelay $0x1  }
0x62: {  	[tilespmem:s30+$0x35C0] =	vst v14  }
0x63: {  	v14 =	vld.msk [tilespmem:s13+$0x0 ss:$0x0], $0xffff  }
0x64: {  	v15 =	vld.msk [tilespmem:s0+$0x0 ss:$0x0], $0xffff  }
0x65: {  	v16 =	vld.msk [tilespmem:s31+$0x0 ss:$0x0], $0xffff;
	_ =	sdelay $0x2  }
0x66: {  	v60 =	vmul.f32 v14, v1  }
0x67: {  	v61 =	vmul.f32 v15, v2  }
0x68: {  	v62 =	vmul.f32 v16, v5;
	v17 =	vadd.f32 v60, v8  }
0x69: {  	v14 =	vmul.f32 v14, v0;
	v18 =	vadd.f32 v61, v11  }
0x6a: {  	v15 =	vmul.f32 v15, v3;
	v63 =	vadd.f32 v62, v10;
	[tilespmem:s30+$0x4E60] =	vst v17  }
0x6b: {  	v16 =	vmul.f32 v16, v4;
	v14 =	vadd.f32 v14, v13;
	[tilespmem:s30+$0x4E70] =	vst v18  }
0x6c: {  	v15 =	vadd.f32 v15, v7;
	[tilespmem:s30+$0x4EA0] =	vst v63  }
0x6d: {  	v16 =	vadd.f32 v16, v9;
	[tilespmem:s30+$0x4E50] =	vst v14  }
0x6e: {  	[tilespmem:s30+$0x4E80] =	vst v15  }
0x6f: {  	[tilespmem:s30+$0x4E90] =	vst v16  }
0x70: {  	v14 =	vld [tilespmem:s4+$0x0]  }
0x71: {  	s12 =	simm.s32 $0x200;
	s10 =	simm.s32 $0x214  }
0x72: {  	s15 =	simm.s32 $0x64;
	s26 =	simm.s32 $0xFF0;
	s9 =	simm.s32 $0x13C  }
.LBB2_3:
0x73: {  	s13 =	sadd.s32 $0x1, s13;
	s0 =	sadd.s32 $0x1, s0;
	s31 =	sadd.s32 $0x1, s31  }
0x74: {  	p0 =	sne.s32 s12, $0x6200;
	s1 =	smov.u32 s12;
	s12 =	sadd.s32 $0x200, s12  }
0x75: {  	v14 =	vadd.f32 v14, v6;
	_ =	sdelay $0x1  }
0x76: {  	[tilespmem:s30+$0x4EB0] =	vst v14  }
0x77: {  	v14 =	vld [tilespmem:s4+$0x10];
	_ =	sdelay $0x4  }
0x78: {  	v14 =	vadd.f32 v14, v12;
	_ =	sdelay $0x1  }
0x79: {  	[tilespmem:s30+$0x4EC0] =	vst v14  }
0x7a: {  	v14 =	vld.msk [tilespmem:s15+$0x32 ss:$0x0], $0xffff;
	s15 =	smov.u32 s13  }
0x7b: {  	v15 =	vld.msk [tilespmem:s9+$0x32 ss:$0x0], $0xffff;
	s9 =	smov.u32 s0  }
0x7c: {  	v16 =	vld.msk [tilespmem:s10+$0x32 ss:$0x0], $0xffff;
	s10 =	smov.u32 s31;
	_ =	sdelay $0x3  }
0x7d: {  	v17 =	vmul.f32 v14, v0;
	v14 =	vmul.f32 v14, v1  }
0x7e: {  	v18 =	vmul.f32 v15, v2;
	v15 =	vmul.f32 v15, v3  }
0x7f: {  	v13 =	vadd.f32 v17, v13;
	v17 =	vmul.f32 v16, v4;
	v16 =	vmul.f32 v16, v5  }
0x80: {  	v11 =	vadd.f32 v18, v11;
	v15 =	vadd.f32 v15, v7  }
0x81: {  	s1 =	sshra.s32 s1, $0x2;
	v7 =	vadd.f32 v17, v9;
	v9 =	vadd.f32 v16, v10;
	[tilespmem:s30+$0x6750] =	vst v13  }
0x82: {  	v8 =	vadd.f32 v14, v8;
	[tilespmem:s30+$0x6770] =	vst v11  }
0x83: {  	[tilespmem:s30+$0x6790] =	vst v7  }
0x84: {  	[tilespmem:s30+$0x67A0] =	vst v9  }
0x85: {  	v7 =	vld [tilespmem:s1+$0x8080];
	[tilespmem:s30+$0x6760] =	vst v8;
	_ =	sdelay $0x1  }
0x86: {  	[tilespmem:s30+$0x6780] =	vst v15  }
0x87: {  	v8 =	vld [tilespmem:s4+$0x640];
	_ =	sdelay $0x4  }
0x88: {  	v6 =	vadd.f32 v8, v6;
	_ =	sdelay $0x1  }
0x89: {  	[tilespmem:s30+$0x67B0] =	vst v6  }
0x8a: {  	v8 =	vld [tilespmem:s4+$0x650];
	s4 =	smov.u32 s26  }
0x8b: {  	v6 =	vld [tilespmem:s1+$0x80B0];
	_ =	sdelay $0x3  }
0x8c: {  	v8 =	vadd.f32 v8, v12;
	_ =	sdelay $0x1  }
0x8d: {  	v11 =	vld [tilespmem:s1+$0x8070];
	[tilespmem:s30+$0x67C0] =	vst v8;
	s30 =	smov.u32 s1  }
0x8e: {  	v12 =	vld.msk [tilespmem:s31+$0xFFFFFF9C ss:$0x0], $0xffff  }
0x8f: {  	v14 =	vld.msk [tilespmem:s0+$0xFFFFFF9C ss:$0x0], $0xffff  }
0x90: {  	v15 =	vld.msk [tilespmem:s13+$0xFFFFFF9C ss:$0x0], $0xffff  }
0x91: {  	v9 =	vld [tilespmem:s30+$0x8090]  }
0x92: {  	v10 =	vld [tilespmem:s30+$0x80A0]  }
0x93: {  	v8 =	vld [tilespmem:s30+$0x8060]  }
0x94: {  	v16 =	vmul.f32 v12, v4;
	v12 =	vmul.f32 v12, v5;
	v13 =	vld [tilespmem:s30+$0x8050]  }
0x95: {  	v17 =	vmul.f32 v14, v3  }
0x96: {  	v14 =	vmul.f32 v14, v2;
	v18 =	vmul.f32 v15, v1;
	v16 =	vadd.f32 v16, v9  }
0x97: {  	v15 =	vmul.f32 v15, v0;
	v17 =	vadd.f32 v17, v7;
	v12 =	vadd.f32 v12, v10  }
0x98: {  	v14 =	vadd.f32 v14, v11;
	v18 =	vadd.f32 v18, v8;
	[tilespmem:s30+$0x1C90] =	vst v16  }
0x99: {  	v15 =	vadd.f32 v15, v13;
	[tilespmem:s30+$0x1CA0] =	vst v12  }
0x9a: {  	[tilespmem:s30+$0x1C60] =	vst v18  }
0x9b: {  	[tilespmem:s30+$0x1C50] =	vst v15  }
0x9c: {  	[tilespmem:s30+$0x1C70] =	vst v14  }
0x9d: {  	[tilespmem:s30+$0x1C80] =	vst v17  }
0x9e: {  	v12 =	vld [tilespmem:s26+$0xFFFFF380];
	_ =	sdelay $0x4  }
0x9f: {  	v14 =	vadd.f32 v12, v6;
	_ =	sdelay $0x1  }
0xa0: {  	v12 =	vld [tilespmem:s30+$0x80C0];
	[tilespmem:s30+$0x1CB0] =	vst v14  }
0xa1: {  	v14 =	vld [tilespmem:s26+$0xFFFFF390];
	_ =	sdelay $0x4  }
0xa2: {  	v14 =	vadd.f32 v14, v12;
	_ =	sdelay $0x1  }
0xa3: {  	[tilespmem:s30+$0x1CC0] =	vst v14  }
0xa4: {  	v14 =	vld.msk [tilespmem:s13+$0xFFFFFFCE ss:$0x0], $0xffff  }
0xa5: {  	v15 =	vld.msk [tilespmem:s0+$0xFFFFFFCE ss:$0x0], $0xffff  }
0xa6: {  	v16 =	vld.msk [tilespmem:s31+$0xFFFFFFCE ss:$0x0], $0xffff;
	_ =	sdelay $0x3  }
0xa7: {  	v17 =	vmul.f32 v14, v0;
	v14 =	vmul.f32 v14, v1  }
0xa8: {  	v18 =	vmul.f32 v15, v2;
	v15 =	vmul.f32 v15, v3  }
0xa9: {  	v17 =	vadd.f32 v17, v13;
	v19 =	vmul.f32 v16, v4;
	v16 =	vmul.f32 v16, v5  }
0xaa: {  	v18 =	vadd.f32 v18, v11;
	v15 =	vadd.f32 v15, v7  }
0xab: {  	v16 =	vadd.f32 v16, v10;
	[tilespmem:s30+$0x3550] =	vst v17;
	v17 =	vadd.f32 v19, v9  }
0xac: {  	v14 =	vadd.f32 v14, v8;
	[tilespmem:s30+$0x3580] =	vst v15  }
0xad: {  	[tilespmem:s30+$0x3590] =	vst v17  }
0xae: {  	[tilespmem:s30+$0x3570] =	vst v18  }
0xaf: {  	[tilespmem:s30+$0x3560] =	vst v14  }
0xb0: {  	[tilespmem:s30+$0x35A0] =	vst v16  }
0xb1: {  	v14 =	vld [tilespmem:s26+$0xFFFFF9C0];
	_ =	sdelay $0x4  }
0xb2: {  	v14 =	vadd.f32 v14, v6;
	_ =	sdelay $0x1  }
0xb3: {  	[tilespmem:s30+$0x35B0] =	vst v14  }
0xb4: {  	v14 =	vld [tilespmem:s26+$0xFFFFF9D0];
	_ =	sdelay $0x4  }
0xb5: {  	v14 =	vadd.f32 v14, v12;
	_ =	sdelay $0x1  }
0xb6: {  	[tilespmem:s30+$0x35C0] =	vst v14  }
0xb7: {  	v14 =	vld.msk [tilespmem:s13+$0x0 ss:$0x0], $0xffff  }
0xb8: {  	v15 =	vld.msk [tilespmem:s0+$0x0 ss:$0x0], $0xffff  }
0xb9: {  	v16 =	vld.msk [tilespmem:s31+$0x0 ss:$0x0], $0xffff;
	_ =	sdelay $0x3  }
0xba: {  	v17 =	vmul.f32 v14, v0;
	v14 =	vmul.f32 v14, v1  }
0xbb: {  	v18 =	vmul.f32 v15, v2;
	v15 =	vmul.f32 v15, v3  }
0xbc: {  	v14 =	vadd.f32 v14, v8;
	v19 =	vmul.f32 v16, v4;
	v16 =	vmul.f32 v16, v5  }
0xbd: {  	v18 =	vadd.f32 v18, v11;
	v15 =	vadd.f32 v15, v7  }
0xbe: {  	v16 =	vadd.f32 v16, v10;
	[tilespmem:s30+$0x4E60] =	vst v14;
	v14 =	vadd.f32 v19, v9  }
0xbf: {  	v17 =	vadd.f32 v17, v13;
	[tilespmem:s30+$0x4E70] =	vst v18  }
0xc0: {  	[tilespmem:s30+$0x4EA0] =	vst v16  }
0xc1: {  	[tilespmem:s30+$0x4E50] =	vst v17  }
.Ltmp0:
0xc2: {  	[tilespmem:s30+$0x4E80] =	vst v15;
	(pc) =	sbr.rel @p0 .LBB2_3-.Ltmp0, $3  }
0xc3: {  	[tilespmem:s30+$0x4E90] =	vst v14  }
0xc4: {  	v14 =	vld [tilespmem:s26+$0x0];
	_ =	sdelay $0x1  }
0xc5: {  	s26 =	sadd.s32 $0x20, s26  }
0xc6: {  	_ =	sdelay $0x1  }
0xc7: {  	v14 =	vadd.f32 v14, v6;
	_ =	sdelay $0x1  }
0xc8: {  	[tilespmem:s30+$0x4EB0] =	vst v14  }
0xc9: {  	v14 =	vld [tilespmem:s4+$0x10];
	_ =	sdelay $0x4  }
0xca: {  	v14 =	vadd.f32 v14, v12;
	_ =	sdelay $0x1  }
0xcb: {  	[tilespmem:s30+$0x4EC0] =	vst v14  }
0xcc: {  	v14 =	vld.msk [tilespmem:s15+$0x32 ss:$0x0], $0xffff  }
0xcd: {  	v15 =	vld.msk [tilespmem:s9+$0x32 ss:$0x0], $0xffff  }
0xce: {  	v16 =	vld.msk [tilespmem:s10+$0x32 ss:$0x0], $0xffff;
	_ =	sdelay $0x2  }
0xcf: {  	v17 =	vmul.f32 v14, v0  }
0xd0: {  	v18 =	vmul.f32 v15, v2  }
0xd1: {  	v62 =	vmul.f32 v16, v4;
	v13 =	vadd.f32 v17, v13  }
0xd2: {  	v16 =	vmul.f32 v16, v5;
	v11 =	vadd.f32 v18, v11  }
0xd3: {  	v14 =	vmul.f32 v14, v1;
	v9 =	vadd.f32 v62, v9;
	[tilespmem:s30+$0x6750] =	vst v13  }
0xd4: {  	v63 =	vmul.f32 v15, v3;
	v10 =	vadd.f32 v16, v10;
	[tilespmem:s30+$0x6770] =	vst v11  }
0xd5: {  	v8 =	vadd.f32 v14, v8;
	[tilespmem:s30+$0x6790] =	vst v9  }
0xd6: {  	v7 =	vadd.f32 v63, v7;
	[tilespmem:s30+$0x67A0] =	vst v10  }
0xd7: {  	[tilespmem:s30+$0x6760] =	vst v8  }
0xd8: {  	[tilespmem:s30+$0x6780] =	vst v7  }
0xd9: {  	v7 =	vld [tilespmem:s4+$0x640];
	_ =	sdelay $0x4  }
0xda: {  	v6 =	vadd.f32 v7, v6;
	_ =	sdelay $0x1  }
0xdb: {  	[tilespmem:s30+$0x67B0] =	vst v6  }
0xdc: {  	v6 =	vld [tilespmem:s4+$0x650];
	_ =	sdelay $0x4  }
0xdd: {  	s28 =	sadd.s32 $0x1, s28;
	v6 =	vadd.f32 v6, v12  }
0xde: {  	s0 =	sshll.u32 s29, $0x4;
	s1 =	rddreg [dreg:$0x1];
	p0 =	sne.s32 s28, $0x20  }
.Ltmp1:
0xdf: {  	s0 =	sadd.s32 s1, s0;
	[tilespmem:s30+$0x67C0] =	vst v6;
	(pc) =	sbr.rel @p0 .LBB2_2-.Ltmp1, $4  }
0xe0: {  	[hbm4b:s0+s2] =	stream.linear.scatter [tilespmem:s25], [sflag:$0x2], $0x6400, $0x38;
	[tilespmem:$0x99D0] =	vst v63  }
0xe1: {  	_ =	swait.ge [sflag:s14], $0x6400  }
0xe2: {  	[sflag:s14] =	ssyncset.done $0x0  }
0xe3: {  	[sflag:s14] =	ssyncadd.s32 $0xFFFF9C00  }
0xe4: {  	s1 =	rddreg [dreg:$0x6]  }
0xe5: {  	s0 =	rddreg [dreg:$0x5];
	s1 =	sadd.s32 $0x1, s1  }
0xe6: {  	p0 =	sne.s32 s1, s0  }
.Ltmp2:
0xe7: {  	_ = 	snop;
	(pc) =	sbr.rel @p0 .LBB2_1-.Ltmp2, $1  }
0xe8: {  	_ =	sdelay $0x3  }
0xe9: {  	_ =	sfence.sel $0x180000  }
0xea: {  	[bflag:$0x0] =	sbarrier.arrive $0xFFFF  }
0xeb: {  	_ =	strace $0x90000047  }
0xec: {  	s0 =	stileid.u32;
	[bflag:$0x2] =	sbarrier.arrive $0xFFFF  }
0xed: {  	p0 =	sne.s32 s0, $0x0;
	s0 =	rddreg [dreg:$0x2]  }
0xee: {  	s0 =	sadd.s32 @!p0 $0x100000, s0  }
0xef: {  	[sflag:s0] =	ssyncadd.tile.s32 @!p0 $0x1;
	_ =	shalt  }
.Lfunc_end2:
_tile_overlayer_lowered:
.L_overlay_start_2:
0xf0: {  	(tag) =	ssettag $0x2  }
0xf1: {  	s0 =	rddreg [dreg:$0x0];
	s2 =	stileid.u32  }
0xf2: {  	s1 =	rddreg [dreg:$0x1];
	p0 =	sne.s32 s2, $0x0  }
0xf3: {  	s3 =	rddreg [dreg:$0x2];
	[bflag:$0x3] =	sbarrier.arrive $0xFFFF;
	s2 =	simm.s32 @!p0 $0x1C02  }
0xf4: {  	[timem:s3], [sflag:s2] =	dma.local @!p0 [hbm:s0], s1  }
0xf5: {  	s0 =	simm.s32 @!p0 $0x2  }
0xf6: {  	_ =	swait.ge @!p0 [sflag:s0], s1  }
0xf7: {  	s1 =	ssub.s32 @!p0 $0x0, s1;
	[sflag:s0] =	ssyncset.done @!p0 $0x0  }
0xf8: {  	[sflag:s0] =	ssyncadd.s32 @!p0 s1  }
0xf9: {  	[bflag:$0x3] =	sbarrier.arrive $0xFFFF  }
0xfa: {  	_ =	shalt  }

// kernel: sparse-core-data-format-call.cloned.1.call-start
scs
called_computation_lowered:
.L_overlay_start_0:
0x0: {  	s2 =	sld [smem:$0x3FD9]  }
0x1: {  	s3 =	sld [smem:$0x3FFE];
	_ =	sdelay $0x1  }
0x2: {  	s1 =	srdreg.scid  }
0x3: {  	s0 =	sand.u32 $0x1, s1  }
0x4: {  	s18 =	sshll.u32 s0, $0xA;
	s2 =	sadd.s32 s3, s2  }
0x5: {  	s2 =	sadd.s32 s2, s18  }
0x6: {  	[smem:$0x3FC0] =	sst s2  }
0x7: {  	_ = 	snop  }
0x8: {  	s2 =	sld [smem:$0x3FD0];
	(tm) =	ssettm $0x1  }
0x9: {  	s19 =	sld [smem:$0x3FFB];
	_ =	sdelay $0x3  }
0xa: {  	_ =	strace s19  }
0xb: {  	s3 =	sld [smem:$0x3FFC];
	_ =	sdelay $0x3  }
0xc: {  	_ =	strace s3  }
0xd: {  	s3 =	sld [smem:$0x3FFD];
	_ =	sdelay $0x3  }
0xe: {  	_ =	strace s3  }
0xf: {  	_ =	strace $0x8FFFFFFF  }
0x10: {  	s20 =	sld [smem:$0x3FDB];
	_ =	sdelay $0x1  }
0x11: {  	s4 =	simm.s32 $_scs_section_size  }
0x12: {  	s5 =	simm.s32 $_size__tile_overlayer_lowered;
	s6 =	simm.s32 $_tile_overlayer_lowered  }
0x13: {  	s23 =	simm.s32 $0x1BFF;
	s22 =	sshll.u32 s6, $0x1;
	s3 =	sadd.s32 s4, s20  }
0x14: {  	s7 =	simm.s32 $0x0;
	s21 =	sshll.u32 s5, $0x1;
	s5 =	sadd.s32 s22, s3  }
0x15: {  	[timem:s7], [sflag:s23] =	dma.local [hbm:s5], s21  }
0x16: {  	_ =	swait.ge [sflag:s23], s21  }
0x17: {  	s4 =	ssub.s32 $0x0, s21;
	[sflag:s23] =	ssyncset.done $0x0  }
0x18: {  	[sflag:s23] =	ssyncadd.s32 s4;
	_ =	sdelay $0x1  }
0x19: {  	s24 =	simm.s32 $0x1B8B  }
0x1a: {  	_ =	swait.ge [sflag:s24], $0x1  }
0x1b: {  	[sflag:s24] =	ssyncset.done $0x0  }
0x1c: {  	s26 =	simm.s32 $0x1B8E;
	s25 =	sld [smem:$0x3FFE];
	[sflag:s24] =	ssyncadd.s32 $0xFFFFFFFF  }
0x1d: {  	s27 =	simm.s32 $execute0_lowered;
	[smem:$0x3FD2] =	sst s26  }
0x1e: {  	s5 =	sshll.u32 s27, $0x1;
	_ =	strace $0x80000049;
	[dreg:$0x1] =	wrdreg $0xFFFFFFFF  }
0x1f: {  	s28 =	simm.s32 $_size_execute0_lowered;
	s3 =	sadd.s32 s3, s5;
	[dreg:$0x0] =	wrdreg $0x0  }
0x20: {  	s5 =	sshll.u32 s28, $0x1;
	[dreg:$0x2] =	wrdreg s3  }
0x21: {  	[dreg:$0x3] =	wrdreg s5  }
0x22: {  	[dreg:$0x4] =	wrdreg $0xC0  }
0x23: {  	_ =	task [dreg:s7], $0x5FFFF  }
0x24: {  	[dreg:$0x1] =	wrdreg $0xFFFFFFFF  }
0x25: {  	[dreg:$0x0] =	wrdreg $0x60  }
0x26: {  	[dreg:$0x2] =	wrdreg s25  }
0x27: {  	[dreg:$0x3] =	wrdreg s2  }
0x28: {  	[dreg:$0x4] =	wrdreg $0x9  }
0x29: {  	_ =	task.clear_ibuf [dreg:s7], $0x5FFFF;
	_ =	strace $0x90000049  }
0x2a: {  	s29 =	simm.s32 $0x9;
	_ =	strace $0x8000004B  }
0x2b: {  	_ =	swait.ge [sflag:s29], $0x1  }
0x2c: {  	[sflag:s29] =	ssyncadd.s32 $0xFFFFFFFF  }
0x2d: {  	_ =	strace $0x9000004B  }
0x2e: {  	_ =	sfence  }
0x2f: {  	s30 =	sld [smem:$0x0];
	_ =	sdelay $0x2  }
0x30: {  	s31 =	sshll.u32 s1, $0xD;
	s1 =	sshrl.u32 s1, $0x2  }
0x31: {  	s3 =	sand.u32 $0x4000, s31;
	s1 =	sadd.s32 s1, s30  }
0x32: {  	s0 =	sor.u32 s3, s0;
	s1 =	sshll.u32 s1, $0x11  }
0x33: {  	s0 =	sor.u32 s1, s0  }
0x34: {  	s0 =	sadd.s32 $0x8F2B, s0  }
0x35: {  	[sflag:s0] =	ssyncadd.remote.s32 $0x1  }
0x36: {  	_ =	sfence.sel $0xFFFF  }
0x37: {  	[dreg:$0x0] =	wrdreg $0xFFFFFFFF;
	(pc) =	sbr.abs _section_cstart, $3  }
0x38: {  	[dreg:$0x1] =	wrdreg $0xFFFFFFFF  }
0x39: {  	_ =	task.clear_ibuf [dreg:s7], $0x2FFFF;
	_ =	strace $0x9FFFFFFF  }
0x3a: {  	(tm) =	ssettm $0x7FFFFFFF  }
0x3b: {  	_ =	shalt  }
tec
execute0_lowered:
.L_overlay_start_1:
0x0: {  	(tag) =	ssettag $0x1  }
0x1: {  	s0 =	srdreg.scid  }
0x2: {  	s1 =	sshll.u32 s0, $0x4  }
0x3: {  	s0 =	stileid.u32;
	s1 =	sand.u32 $0x10, s1  }
0x4: {  	s1 =	sor.u32 s0, s1  }
0x5: {  	s6 =	rddreg [dreg:$0x0];
	s4 =	simm.s32 $0x1;
	s2 =	sshll.u32 s1, $0x6  }
0x6: {  	s7 =	simm.s32 $0x2;
	s13 =	simm.s32 $0x0;
	s1 =	ssub.s32 $0x1000, s2  }
0x7: {  	s8 =	simm.s32 $0x2000;
	s9 =	simm.s32 $0x80000;
	s3 =	sand.u32 $0x7C0, s1  }
0x8: {  	s14 =	simm.s32 $0x0;
	s5 =	sshrl.u32 s1, $0xB;
	p0 =	sne.s32 s3, $0x0  }
.Ltmp0:
0x9: {  	s1 =	rddreg [dreg:$0x2];
	s4 =	simm.s32 @!p0 $0x0;
	(pc) =	sbr.rel .LBB1_1-.Ltmp0, $4  }
0xa: {  	s10 =	simm.s32 $0x0;
	s3 =	rddreg [dreg:$0x1];
	s5 =	sadd.s32 s4, s5  }
0xb: {  	_ =	strace $0x8000004A;
	s4 =	simm.s32 $0x1;
	s5 =	smul.u32 $0x19, s5  }
0xc: {  	s12 =	simm.s32 $0x0;
	s6 =	sadd.s32 $0x1800, s6;
	[sflag:s4] =	ssyncpa.u1 $0x0  }
0xd: {  	s11 =	smov.u32 s2;
	[sflag:s7] =	ssyncpa.u1 $0x0;
	s7 =	sadd.s32 $0x1, s5  }
.LBB1_7:
0xe: {  	s15 =	sadd.s32 $0x2, s10  }
0xf: {  	s13 =	sadd.s32 $0x800, s11;
	s17 =	smov.u32 s11;
	p1 =	sgt.s32 s15, $0x31  }
0x10: {  	s17 =	smov.u32 @p1 s13  }
0x11: {  	s15 =	simm.s32 @p1 $0x0;
	p1 =	sgt.s32 s17, $0xFFF  }
0x12: {  	s17 =	smov.u32 @p1 s2;
	p1 =	sne.s32 s12, s7  }
.Ltmp1:
0x13: {  	p0 =	slt.u32 s12, $0x2;
	(pc) =	sbr.rel @!p1 .LBB1_8-.Ltmp1, $4  }
0x14: {  	s16 =	simm.s32 @!p0 $0x2  }
0x15: {  	s14 =	smov.u32 s11;
	_ =	swait.ge @!p0 [sflag:s16], $0x4000  }
0x16: {  	s13 =	smov.u32 s10;
	[sflag:s16] =	ssyncset.done @!p0 $0x0;
	s10 =	smov.u32 s15  }
0x17: {  	s12 =	sadd.s32 $0x1, s12;
	[sflag:s16] =	ssyncadd.s32 @!p0 $0xFFFFC000;
	s11 =	smov.u32 s17  }
.LBB1_1:
0x18: {  	p0 =	sge.u32 s12, s5  }
0x19: {  	s15 =	sand.u32 @!p0 $0x1FFFFFF, s10  }
0x1a: {  	s16 =	smulhi.u32 @!p0 $0x4924925, s15;
	_ =	sdelay $0x1  }
0x1b: {  	s16 =	smul.u32 @!p0 $0x38, s16  }
0x1c: {  	s17 =	sxor.u32 @!p0 $0xFFFFFFFF, s12;
	s18 =	smul.u32 @!p0 $0x380, s11  }
0x1d: {  	s31 =	sadd.s32 $0xFFFFFFFF, s12;
	s17 =	sshll.u32 @!p0 s17, $0xE;
	s15 =	ssub.s32 @!p0 s15, s16  }
0x1e: {  	s16 =	sand.u32 @!p0 $0x4000, s17;
	s17 =	sadd.s32 @!p0 s6, s18;
	s15 =	sshll.u32 @!p0 s15, $0x4  }
0x1f: {  	s18 =	simm.s32 @!p0 $0x1C00;
	s15 =	sadd.s32 @!p0 s15, s17;
	s17 =	simm.s32 @!p0 $0x100  }
0x20: {  	[tilespmem:s16], [sflag:$0x1] =	stream.strided.gather @!p0 [hbm4b:s15+s17], $0x4000, s18, s17, $0x38;
	[tilespmem:$0x10000] =	vst v63  }
0x21: {  	p0 =	sge.u32 s31, s5  }
.Ltmp2:
0x22: {  	_ = 	snop;
	(pc) =	sbr.rel @p0 .LBB1_7-.Ltmp2, $1  }
0x23: {  	_ =	sdelay $0x3  }
0x24: {  	_ =	swait.ge [sflag:s4], $0x4000;
	s15 =	sshll.u32 s12, $0xE  }
0x25: {  	[sflag:s4] =	ssyncset.done $0x0;
	s16 =	sand.u32 $0x4000, s15  }
0x26: {  	s17 =	simm.s32 $0x0;
	[sflag:s4] =	ssyncadd.s32 $0xFFFFC000;
	s15 =	sor.u32 $0x8000, s16  }
.LBB1_3:
0x27: {  	s18 =	sshll.u32 s17, $0x8  }
0x28: {  	s18 =	sand.u32 $0x3FFFFF00, s18  }
0x29: {  	s19 =	sshll.u32 s17, $0x7;
	s18 =	sadd.s32 s18, s16  }
0x2a: {  	s19 =	sand.u32 $0x3FFFFF80, s19;
	v0 =	vmov s18  }
0x2b: {  	s19 =	sadd.s32 s19, s15  }
0x2c: {  	p0 =	por $0x1, $0x1;
	v1 =	vmov s19;
	s18 =	simm.s32 $0x0  }
.LBB1_4:
0x2d: {  	s19 =	sshll.u32 s18, $0x7  }
0x2e: {  	s19 =	sand.u32 $0x3FFFFF80, s19  }
0x2f: {  	v2 =	vld.idx.msk [tilespmem:v0+s19+$0x0 ss:$0x1], $0xffff  }
0x30: {  	v3 =	vld.idx.msk [tilespmem:v0+s19+$0x10 ss:$0x1], $0xffff  }
0x31: {  	v4 =	vld.idx.msk [tilespmem:v0+s19+$0x20 ss:$0x1], $0xffff  }
0x32: {  	s31 =	sshll.u32 s18, $0xD;
	v5 =	vld.idx.msk [tilespmem:v0+s19+$0x30 ss:$0x1], $0xffff  }
0x33: {  	s18 =	sand.u32 $0x3FFFE000, s31;
	v6 =	vld.idx.msk [tilespmem:v0+s19+$0x40 ss:$0x1], $0xffff  }
0x34: {  	v63 =	vld.idx.msk [tilespmem:v0+s19+$0x70 ss:$0x1], $0xffff;
	[tilespmem:v1+s18+$0x0 ss:$0x1] =	vst.idx.msk $0xffff, v2  }
0x35: {  	v2 =	vld.idx.msk [tilespmem:v0+s19+$0x50 ss:$0x1], $0xffff;
	[tilespmem:v1+s18+$0x10 ss:$0x1] =	vst.idx.msk $0xffff, v3  }
0x36: {  	p1 =	por p0, p0;
	v3 =	vld.idx.msk [tilespmem:v0+s19+$0x60 ss:$0x1], $0xffff;
	[tilespmem:v1+s18+$0x20 ss:$0x1] =	vst.idx.msk $0xffff, v4  }
.Ltmp3:
0x37: {  	[tilespmem:v1+s18+$0x30 ss:$0x1] =	vst.idx.msk $0xffff, v5;
	(pc) =	sbr.rel @p1 .LBB1_4-.Ltmp3, $4  }
0x38: {  	[tilespmem:v1+s18+$0x40 ss:$0x1] =	vst.idx.msk $0xffff, v6  }
0x39: {  	[tilespmem:v1+s18+$0x70 ss:$0x1] =	vst.idx.msk $0xffff, v63  }
0x3a: {  	[tilespmem:v1+s18+$0x50 ss:$0x1] =	vst.idx.msk $0xffff, v2  }
0x3b: {  	p0 =	por $0x0, $0x0;
	[tilespmem:v1+s18+$0x60 ss:$0x1] =	vst.idx.msk $0xffff, v3;
	s18 =	simm.s32 $0x1  }
0x3c: {  	s17 =	sadd.s32 $0x1, s17  }
0x3d: {  	p0 =	sne.s32 s17, $0x40  }
.Ltmp4:
0x3e: {  	_ = 	snop;
	(pc) =	sbr.rel @p0 .LBB1_3-.Ltmp4, $1  }
0x3f: {  	_ =	sdelay $0x3  }
.Ltmp5:
0x40: {  	s14 =	sshll.u32 s14, $0x4;
	(pc) =	sbr.rel .LBB1_7-.Ltmp5, $4  }
0x41: {  	s14 =	sand.u32 $0xFFF0, s14  }
0x42: {  	s13 =	sshll.u32 s13, $0x10;
	s14 =	sadd.s32 s3, s14  }
0x43: {  	s13 =	sadd.s32 s13, s14  }
0x44: {  	[hbm4b:s13+s8] =	stream.strided.scatter [tilespmem:s15], [sflag:$0x2], $0x4000, s9, s8, $0x38;
	[tilespmem:$0x10000] =	vst v63  }
.LBB1_8:
0x45: {  	_ =	sfence.sel $0x180000  }
0x46: {  	s2 =	simm.s32 $0x1;
	[bflag:$0x0] =	sbarrier.arrive $0xFFFF  }
0x47: {  	s31 =	simm.s32 $0x2;
	[sflag:s2] =	ssyncpa.u1 $0x1  }
0x48: {  	[sflag:s31] =	ssyncpa.u1 $0x1  }
0x49: {  	p0 =	sne.s32 s0, $0x0;
	_ =	strace $0x9000004A  }
0x4a: {  	s0 =	sadd.s32 @!p0 $0x100000, s1;
	[bflag:$0x2] =	sbarrier.arrive $0xFFFF  }
0x4b: {  	[sflag:s0] =	ssyncadd.tile.s32 @!p0 $0x1;
	_ =	shalt  }
.Lfunc_end1:
_tile_overlayer_lowered:
.L_overlay_start_2:
0x4c: {  	(tag) =	ssettag $0x2  }
0x4d: {  	s0 =	rddreg [dreg:$0x0];
	s2 =	stileid.u32  }
0x4e: {  	s1 =	rddreg [dreg:$0x1];
	p0 =	sne.s32 s2, $0x0  }
0x4f: {  	s3 =	rddreg [dreg:$0x2];
	[bflag:$0x3] =	sbarrier.arrive $0xFFFF;
	s2 =	simm.s32 @!p0 $0x1C01  }
0x50: {  	[timem:s3], [sflag:s2] =	dma.local @!p0 [hbm:s0], s1  }
0x51: {  	s0 =	simm.s32 @!p0 $0x1  }
0x52: {  	_ =	swait.ge @!p0 [sflag:s0], s1  }
0x53: {  	s1 =	ssub.s32 @!p0 $0x0, s1;
	[sflag:s0] =	ssyncset.done @!p0 $0x0  }
0x54: {  	[sflag:s0] =	ssyncadd.s32 @!p0 s1  }
0x55: {  	[bflag:$0x3] =	sbarrier.arrive $0xFFFF  }
0x56: {  	_ =	shalt  }

</sc_bundles>
